<compile_context>
chip_gen: v7x
topology: tpu7x:2x2x1
jax: 0.10.2.dev20260603
libtpu: 0.0.44.dev20260713+nightly
codegen_flags: <defaults>
</compile_context>

<pallas_src>
import functools
import jax
import jax.numpy as jnp
from jax import lax
from jax.experimental import pallas as pl
from jax.experimental.pallas import tpu as pltpu
from jax.experimental.pallas import tpu_sc as plsc

_NC, _NS, _L = 2, 16, 16
_NW = _NC * _NS
_H = _W = 512
_NWC = _NS
_RPW = _H // _NWC
_STRIP = _RPW * _W
_F32 = jnp.float32



_UNROLL = 8


def _sc_cnt_body(nimg, m_hbm, out_hbm, buf, sem):
    wid = lax.axis_index("s") * _NC + lax.axis_index("c")
    r0 = wid * _RPW
    zv = jnp.zeros((_L,), _F32)

    def strip_copy(p, slot):
        return pltpu.make_async_copy(
            m_hbm.at[pl.ds((p * _H + r0) * _W, _STRIP)],
            buf.at[pl.ds(slot * _STRIP, _STRIP)], sem)

    strip_copy(0, 0).start()
    for p in range(nimg):
        strip_copy(p, p % 2).wait()
        if p + 1 < nimg:
            strip_copy(p + 1, (p + 1) % 2).start()
        base = (p % 2) * _STRIP

        def chunk(k, acc, base=base):
            a0, a1 = acc
            for j in range(0, _UNROLL, 2):
                m0 = buf[pl.ds(base + (k * _UNROLL + j) * _L, _L)]
                m1 = buf[pl.ds(base + (k * _UNROLL + j + 1) * _L, _L)]
                a0 = a0 + jnp.where(m0 >= 0.8, 1.0, 0.0)
                a1 = a1 + jnp.where(m1 >= 0.8, 1.0, 0.0)
            return (a0, a1)
        a0, a1 = lax.fori_loop(0, _STRIP // (_L * _UNROLL), chunk, (zv, zv))
        buf[pl.ds(2 * _STRIP + p * _L, _L)] = a0 + a1

    pltpu.sync_copy(buf.at[pl.ds(2 * _STRIP, nimg * _L)],
                    out_hbm.at[pl.ds(wid * nimg * _L, nimg * _L)])


def _sc_counts(m1, nimg):
    mesh = plsc.VectorSubcoreMesh(core_axis_name="c", subcore_axis_name="s",
                                  num_cores=1)
    return pl.kernel(
        functools.partial(_sc_cnt_body, nimg),
        out_type=jax.ShapeDtypeStruct((_NWC * nimg * _L,), _F32),
        mesh=mesh,
        scratch_types=[
            pltpu.VMEM((2 * _STRIP + nimg * _L,), _F32),
            pltpu.SemaphoreType.DMA,
        ],
    )(m1)



def _shift_rows(x, di):
    n = x.shape[0]
    r = jnp.roll(x, -di, axis=0)
    ii = jax.lax.broadcasted_iota(jnp.int32, x.shape, 0)
    if di > 0:
        return jnp.where(ii < n - di, r, 0.0)
    return jnp.where(ii >= -di, r, 0.0)


def _shift_cols(x, dj):
    n = x.shape[1]
    r = jnp.roll(x, -dj, axis=1)
    jj = jax.lax.broadcasted_iota(jnp.int32, x.shape, 1)
    if dj > 0:
        return jnp.where(jj < n - dj, r, 0.0)
    return jnp.where(jj >= -dj, r, 0.0)


def _nbsum(x):
    row = x + _shift_cols(x, 1) + _shift_cols(x, -1)
    return row + _shift_rows(row, 1) + _shift_rows(row, -1) - x


def _tc_kernel(m_ref, s_ref, out_ref):
    p = pl.program_id(0)
    m = m_ref[0]
    s = s_ref[0]
    h, w = m.shape

    ii = jax.lax.broadcasted_iota(jnp.int32, (h, w), 0)
    jj = jax.lax.broadcasted_iota(jnp.int32, (h, w), 1)
    kill = ((ii == h - 1) & (jj >= 1)) | ((jj == w - 1) & (ii >= 1))
    keep = jnp.where(kill, 0.0, 1.0)

    sum_t = _nbsum(s) * keep
    u = jnp.where(s != 0.0, sum_t, 0.0)
    v = u * jnp.abs(s - m)
    den = _nbsum(u)
    num = _nbsum(v)
    pix = (num / (den + 1.0)) * keep

    prom = m >= 0.8
    out_ref[p] = jnp.sum(jnp.where(prom, pix, 0.0))


def _tc_sums(m3, s3, nimg):
    h, w = m3.shape[1], m3.shape[2]
    return pl.pallas_call(
        _tc_kernel,
        grid=(nimg,),
        in_specs=[
            pl.BlockSpec((1, h, w), lambda p: (p, 0, 0)),
            pl.BlockSpec((1, h, w), lambda p: (p, 0, 0)),
        ],
        out_specs=pl.BlockSpec(memory_space=pltpu.SMEM),
        out_shape=jax.ShapeDtypeStruct((nimg,), _F32),
    )(m3, s3)


def kernel(out_image, segment_image, batch_num):
    b, _, h, w = out_image.shape
    m3 = out_image.reshape(b, h, w)
    s3 = segment_image.reshape(b, h, w)
    cnt_parts = _sc_counts(out_image.reshape(-1), b)
    s_sums = _tc_sums(m3, s3, b)
    cnts = cnt_parts.reshape(_NWC, b, _L).sum(axis=(0, 2))
    loss = jnp.float32(0.0)
    for p in range(b):
        loss = (loss + s_sums[p]) / cnts[p]
    return loss / batch_num

# --- scband reference (transcript-rebuilt; emitter-appended) ---
"""Pipeline reference for scband-customed-loss-34565896798875 (READ-ONLY COPY).

The authoritative reference and input builder live on the scoring server;
editing this copy changes nothing except your own understanding.
"""

import jax, jax.numpy as jnp
import numpy as np

_OFFS = [(-1, -1), (-1, 0), (-1, 1), (0, -1), (0, 1), (1, -1), (1, 0), (1, 1)]


def _shift8(m):
    # zero-padded 8-neighborhood gather: [H, W] -> [H, W, 8]
    H, W = m.shape
    p = jnp.pad(m, 1)
    ns = [p[1 + di:1 + di + H, 1 + dj:1 + dj + W] for di, dj in _OFFS]
    return jnp.stack(ns, axis=-1)


def _neigh(m):
    # Faithful eight_adjacency semantics: zero-padded neighborhood, but the
    # original code returns all-zeros for (i == H-1, j >= 1) and (j == W-1, i >= 1)
    # because those boundary branches are missing in the torch source.
    H, W = m.shape
    N = _shift8(m)
    ii = jnp.arange(H)[:, None]
    jj = jnp.arange(W)[None, :]
    kill = ((ii == H - 1) & (jj >= 1)) | ((jj == W - 1) & (ii >= 1))
    return N * (~kill)[..., None].astype(m.dtype)


def _forward(out_image, segment_image, batch_num):
    mb = jnp.squeeze(out_image)
    seg = jnp.squeeze(segment_image)
    loss = jnp.asarray(0.0, jnp.float32)
    for p in range(mb.shape[0]):
        m = mb[p]
        s = seg[p]
        P = _neigh(m)                 # pred 8-neighborhoods [H, W, 8]
        T = _neigh(s)                 # true 8-neighborhoods [H, W, 8]
        sumT = jnp.sum(T, axis=-1)    # sum of true neighborhood at each pixel
        sh = _shift8(sumT)            # neighborhood-sum at each of the 8 neighbor positions
        Wt = jnp.where(T != 0, sh, 0.0)  # weight_update: weight[k] = sum(neigh_true at neighbor k) iff true[k] != 0
        num = jnp.sum(Wt * jnp.abs(T - P), axis=-1)
        den = jnp.sum(Wt, axis=-1)
        pix = num / (den + 1.0)
        prom = (m >= 0.8)
        cnt = jnp.sum(prom).astype(jnp.float32)
        # faithful to torch: accumulated loss is divided by truth_count inside the batch loop
        loss = (loss + jnp.sum(pix * prom.astype(pix.dtype))) / cnt
    loss = loss / batch_num
    return loss


def setup_inputs(seed: int = 0) -> dict:
    key = jax.random.key(seed)
    k1, k2 = jax.random.split(key)
    out_image = jax.random.uniform(k1, (4, 1, 512, 512), dtype=jnp.float32)
    segment_image = jax.random.uniform(k2, (4, 1, 512, 512), dtype=jnp.float32)
    return {"out_image": out_image, "segment_image": segment_image, "batch_num": 4}


def reference(out_image, segment_image, batch_num):
    return _forward(out_image, segment_image, batch_num)

if __name__ == "__main__":
    import jax
    _d = setup_inputs()
    print(jax.jit(kernel)(*tuple(_d.values())))

</pallas_src>

<mosaic_0001>
#map = affine_map<(d0, d1) -> (0)>
module attributes {stable_mosaic.version = 14 : i64} {
  func.func @_sc_cnt_body(%arg0: i32, %arg1: i32, %arg2: memref<1048576xf32, #tpu.memory_space<hbm>>, %arg3: memref<1024xf32, #tpu.memory_space<hbm>>, %arg4: memref<32832xf32, #tpu.memory_space<vmem>>, %arg5: memref<!tpu.dma_semaphore, #tpu.memory_space<semaphore_mem>>) attributes {dimension_semantics = [#tpu.dimension_semantics<core_parallel>, #tpu.dimension_semantics<subcore_parallel>], iteration_bounds = array<i64: 1, 16>, scalar_prefetch = 0 : i64, scratch_operands = 2 : i64, tpu.core_type = #tpu.core_type<sc_vector_subcore>, window_params = [{transform_indices = #map}, {transform_indices = #map}]} {
    %mul3A = arith.constant 2 : i32
    %mul3A_0 = arith.muli %arg1, %mul3A : i32
    %add3A = arith.addi %mul3A_0, %arg0 : i32
    %mul3A_1 = arith.constant 32 : i32
    %mul3A_2 = arith.muli %add3A, %mul3A_1 : i32
    %broadcast_in_dim3A = arith.constant 0.000000e+00 : f32
    %broadcast_in_dim3A_3 = vector.broadcast %broadcast_in_dim3A : f32 to vector<16xf32>
    %add3A_4 = arith.constant 0 : i32
    %add3A_5 = arith.addi %add3A_4, %mul3A_2 : i32
    %mul3A_6 = arith.constant 512 : i32
    %mul3A_7 = arith.muli %add3A_5, %mul3A_6 : i32
    %dma_start3A = arith.constant 0 : i32
    %dma_start3A_8 = tpu.memref_slice %arg4[%dma_start3A] : memref<32832xf32, #tpu.memory_space<vmem>> -> memref<16384xf32, #tpu.memory_space<vmem>>
    %dma_start3A_9 = tpu.memref_slice %arg2[%mul3A_7] : memref<1048576xf32, #tpu.memory_space<hbm>> -> memref<16384xf32, #tpu.memory_space<hbm>>
    %dma_start3A_10 = arith.constant 0 : i32
    %dma_start3A_11 = tpu.memref_slice %arg4[%dma_start3A_10] : memref<32832xf32, #tpu.memory_space<vmem>> -> memref<16384xf32, #tpu.memory_space<vmem>>
    %dma_start3A_12 = tpu.memref_slice %arg2[%mul3A_7] : memref<1048576xf32, #tpu.memory_space<hbm>> -> memref<16384xf32, #tpu.memory_space<hbm>>
    tpu.enqueue_dma source(%dma_start3A_12 : memref<16384xf32, #tpu.memory_space<hbm>>) target(%dma_start3A_11 : memref<16384xf32, #tpu.memory_space<vmem>>) target_semaphore(%arg5 : memref<!tpu.dma_semaphore, #tpu.memory_space<semaphore_mem>>)
    %add3A_13 = arith.constant 0 : i32
    %add3A_14 = arith.addi %add3A_13, %mul3A_2 : i32
    %mul3A_15 = arith.constant 512 : i32
    %mul3A_16 = arith.muli %add3A_14, %mul3A_15 : i32
    %dma_wait3A = arith.constant 0 : i32
    %dma_wait3A_17 = tpu.memref_slice %arg4[%dma_wait3A] : memref<32832xf32, #tpu.memory_space<vmem>> -> memref<16384xf32, #tpu.memory_space<vmem>>
    %dma_wait3A_18 = tpu.memref_slice %arg2[%mul3A_16] : memref<1048576xf32, #tpu.memory_space<hbm>> -> memref<16384xf32, #tpu.memory_space<hbm>>
    %dma_wait3A_19 = arith.constant 0 : i32
    %dma_wait3A_20 = tpu.memref_slice %arg4[%dma_wait3A_19] : memref<32832xf32, #tpu.memory_space<vmem>> -> memref<16384xf32, #tpu.memory_space<vmem>>
    %dma_wait3A_21 = tpu.memref_slice %arg2[%mul3A_16] : memref<1048576xf32, #tpu.memory_space<hbm>> -> memref<16384xf32, #tpu.memory_space<hbm>>
    tpu.wait_dma2 semaphore(%arg5 : memref<!tpu.dma_semaphore, #tpu.memory_space<semaphore_mem>>) src(%dma_wait3A_21 : memref<16384xf32, #tpu.memory_space<hbm>>) dst(%dma_wait3A_20 : memref<16384xf32, #tpu.memory_space<vmem>>)
    %add3A_22 = arith.constant 512 : i32
    %add3A_23 = arith.addi %add3A_22, %mul3A_2 : i32
    %mul3A_24 = arith.constant 512 : i32
    %mul3A_25 = arith.muli %add3A_23, %mul3A_24 : i32
    %dma_start3A_26 = arith.constant 16384 : i32
    %dma_start3A_27 = tpu.memref_slice %arg4[%dma_start3A_26] : memref<32832xf32, #tpu.memory_space<vmem>> -> memref<16384xf32, #tpu.memory_space<vmem>>
    %dma_start3A_28 = tpu.memref_slice %arg2[%mul3A_25] : memref<1048576xf32, #tpu.memory_space<hbm>> -> memref<16384xf32, #tpu.memory_space<hbm>>
    %dma_start3A_29 = arith.constant 16384 : i32
    %dma_start3A_30 = tpu.memref_slice %arg4[%dma_start3A_29] : memref<32832xf32, #tpu.memory_space<vmem>> -> memref<16384xf32, #tpu.memory_space<vmem>>
    %dma_start3A_31 = tpu.memref_slice %arg2[%mul3A_25] : memref<1048576xf32, #tpu.memory_space<hbm>> -> memref<16384xf32, #tpu.memory_space<hbm>>
    tpu.enqueue_dma source(%dma_start3A_31 : memref<16384xf32, #tpu.memory_space<hbm>>) target(%dma_start3A_30 : memref<16384xf32, #tpu.memory_space<vmem>>) target_semaphore(%arg5 : memref<!tpu.dma_semaphore, #tpu.memory_space<semaphore_mem>>)
    %scan3A = arith.constant 0 : i32
    %scan3A_32 = arith.constant 128 : i32
    %scan3A_33 = arith.addi %scan3A, %scan3A_32 : i32
    %scan3A_34 = arith.constant 1 : i32
    %scan3A_35:2 = scf.for %scan3A_128 = %scan3A to %scan3A_33 step %scan3A_34 iter_args(%scan3A_129 = %broadcast_in_dim3A_3, %scan3A_130 = %broadcast_in_dim3A_3) -> (vector<16xf32>, vector<16xf32>)  : i32 {
      %mul3A_131 = arith.constant 8 : i32
      %mul3A_132 = arith.muli %scan3A_128, %mul3A_131 : i32
      %add3A_133 = arith.constant 0 : i32
      %add3A_134 = arith.addi %mul3A_132, %add3A_133 : i32
      %mul3A_135 = arith.constant 16 : i32
      %mul3A_136 = arith.muli %add3A_134, %mul3A_135 : i32
      %add3A_137 = arith.constant 0 : i32
      %add3A_138 = arith.addi %add3A_137, %mul3A_136 : i32
      %get3A = arith.index_cast %add3A_138 : i32 to index
      %get3A_139 = tpu.vector_load %arg4[%get3A] {strides = array<i32>} : memref<32832xf32, #tpu.memory_space<vmem>>, vector<16xf32>,
      %get3A_140 = vector.shape_cast %get3A_139 : vector<16xf32> to vector<16xf32>
      %mul3A_141 = arith.constant 8 : i32
      %mul3A_142 = arith.muli %scan3A_128, %mul3A_141 : i32
      %add3A_143 = arith.constant 0 : i32
      %add3A_144 = arith.addi %mul3A_142, %add3A_143 : i32
      %add3A_145 = arith.constant 1 : i32
      %add3A_146 = arith.addi %add3A_144, %add3A_145 : i32
      %mul3A_147 = arith.constant 16 : i32
      %mul3A_148 = arith.muli %add3A_146, %mul3A_147 : i32
      %add3A_149 = arith.constant 0 : i32
      %add3A_150 = arith.addi %add3A_149, %mul3A_148 : i32
      %get3A_151 = arith.index_cast %add3A_150 : i32 to index
      %get3A_152 = tpu.vector_load %arg4[%get3A_151] {strides = array<i32>} : memref<32832xf32, #tpu.memory_space<vmem>>, vector<16xf32>,
      %get3A_153 = vector.shape_cast %get3A_152 : vector<16xf32> to vector<16xf32>
      %ge3A = arith.constant 8.000000e-01 : f32
      %ge3A_154 = vector.broadcast %ge3A : f32 to vector<16xf32>
      %ge3A_155 = arith.cmpf oge, %get3A_140, %ge3A_154 : vector<16xf32>
      %jit3A = arith.constant 1.000000e+00 : f32
      %jit3A_156 = arith.constant 0.000000e+00 : f32
      %broadcast_in_dim3A_157 = vector.broadcast %jit3A : f32 to vector<16xf32>
      %broadcast_in_dim3A_158 = vector.broadcast %jit3A_156 : f32 to vector<16xf32>
      %select_n3A = arith.select %ge3A_155, %broadcast_in_dim3A_157, %broadcast_in_dim3A_158 : vector<16xi1>, vector<16xf32>
      %add3A_159 = arith.addf %scan3A_129, %select_n3A : vector<16xf32>
      %ge3A_160 = arith.constant 8.000000e-01 : f32
      %ge3A_161 = vector.broadcast %ge3A_160 : f32 to vector<16xf32>
      %ge3A_162 = arith.cmpf oge, %get3A_153, %ge3A_161 : vector<16xf32>
      %jit3A_163 = arith.constant 1.000000e+00 : f32
      %jit3A_164 = arith.constant 0.000000e+00 : f32
      %broadcast_in_dim3A_165 = vector.broadcast %jit3A_163 : f32 to vector<16xf32>
      %broadcast_in_dim3A_166 = vector.broadcast %jit3A_164 : f32 to vector<16xf32>
      %select_n3A_167 = arith.select %ge3A_162, %broadcast_in_dim3A_165, %broadcast_in_dim3A_166 : vector<16xi1>, vector<16xf32>
      %add3A_168 = arith.addf %scan3A_130, %select_n3A_167 : vector<16xf32>
      %mul3A_169 = arith.constant 8 : i32
      %mul3A_170 = arith.muli %scan3A_128, %mul3A_169 : i32
      %add3A_171 = arith.constant 2 : i32
      %add3A_172 = arith.addi %mul3A_170, %add3A_171 : i32
      %mul3A_173 = arith.constant 16 : i32
      %mul3A_174 = arith.muli %add3A_172, %mul3A_173 : i32
      %add3A_175 = arith.constant 0 : i32
      %add3A_176 = arith.addi %add3A_175, %mul3A_174 : i32
      %get3A_177 = arith.index_cast %add3A_176 : i32 to index
      %get3A_178 = tpu.vector_load %arg4[%get3A_177] {strides = array<i32>} : memref<32832xf32, #tpu.memory_space<vmem>>, vector<16xf32>,
      %get3A_179 = vector.shape_cast %get3A_178 : vector<16xf32> to vector<16xf32>
      %mul3A_180 = arith.constant 8 : i32
      %mul3A_181 = arith.muli %scan3A_128, %mul3A_180 : i32
      %add3A_182 = arith.constant 2 : i32
      %add3A_183 = arith.addi %mul3A_181, %add3A_182 : i32
      %add3A_184 = arith.constant 1 : i32
      %add3A_185 = arith.addi %add3A_183, %add3A_184 : i32
      %mul3A_186 = arith.constant 16 : i32
      %mul3A_187 = arith.muli %add3A_185, %mul3A_186 : i32
      %add3A_188 = arith.constant 0 : i32
      %add3A_189 = arith.addi %add3A_188, %mul3A_187 : i32
      %get3A_190 = arith.index_cast %add3A_189 : i32 to index
      %get3A_191 = tpu.vector_load %arg4[%get3A_190] {strides = array<i32>} : memref<32832xf32, #tpu.memory_space<vmem>>, vector<16xf32>,
      %get3A_192 = vector.shape_cast %get3A_191 : vector<16xf32> to vector<16xf32>
      %ge3A_193 = arith.constant 8.000000e-01 : f32
      %ge3A_194 = vector.broadcast %ge3A_193 : f32 to vector<16xf32>
      %ge3A_195 = arith.cmpf oge, %get3A_179, %ge3A_194 : vector<16xf32>
      %jit3A_196 = arith.constant 1.000000e+00 : f32
      %jit3A_197 = arith.constant 0.000000e+00 : f32
      %broadcast_in_dim3A_198 = vector.broadcast %jit3A_196 : f32 to vector<16xf32>
      %broadcast_in_dim3A_199 = vector.broadcast %jit3A_197 : f32 to vector<16xf32>
      %select_n3A_200 = arith.select %ge3A_195, %broadcast_in_dim3A_198, %broadcast_in_dim3A_199 : vector<16xi1>, vector<16xf32>
      %add3A_201 = arith.addf %add3A_159, %select_n3A_200 : vector<16xf32>
      %ge3A_202 = arith.constant 8.000000e-01 : f32
      %ge3A_203 = vector.broadcast %ge3A_202 : f32 to vector<16xf32>
      %ge3A_204 = arith.cmpf oge, %get3A_192, %ge3A_203 : vector<16xf32>
      %jit3A_205 = arith.constant 1.000000e+00 : f32
      %jit3A_206 = arith.constant 0.000000e+00 : f32
      %broadcast_in_dim3A_207 = vector.broadcast %jit3A_205 : f32 to vector<16xf32>
      %broadcast_in_dim3A_208 = vector.broadcast %jit3A_206 : f32 to vector<16xf32>
      %select_n3A_209 = arith.select %ge3A_204, %broadcast_in_dim3A_207, %broadcast_in_dim3A_208 : vector<16xi1>, vector<16xf32>
      %add3A_210 = arith.addf %add3A_168, %select_n3A_209 : vector<16xf32>
      %mul3A_211 = arith.constant 8 : i32
      %mul3A_212 = arith.muli %scan3A_128, %mul3A_211 : i32
      %add3A_213 = arith.constant 4 : i32
      %add3A_214 = arith.addi %mul3A_212, %add3A_213 : i32
      %mul3A_215 = arith.constant 16 : i32
      %mul3A_216 = arith.muli %add3A_214, %mul3A_215 : i32
      %add3A_217 = arith.constant 0 : i32
      %add3A_218 = arith.addi %add3A_217, %mul3A_216 : i32
      %get3A_219 = arith.index_cast %add3A_218 : i32 to index
      %get3A_220 = tpu.vector_load %arg4[%get3A_219] {strides = array<i32>} : memref<32832xf32, #tpu.memory_space<vmem>>, vector<16xf32>,
      %get3A_221 = vector.shape_cast %get3A_220 : vector<16xf32> to vector<16xf32>
      %mul3A_222 = arith.constant 8 : i32
      %mul3A_223 = arith.muli %scan3A_128, %mul3A_222 : i32
      %add3A_224 = arith.constant 4 : i32
      %add3A_225 = arith.addi %mul3A_223, %add3A_224 : i32
      %add3A_226 = arith.constant 1 : i32
      %add3A_227 = arith.addi %add3A_225, %add3A_226 : i32
      %mul3A_228 = arith.constant 16 : i32
      %mul3A_229 = arith.muli %add3A_227, %mul3A_228 : i32
      %add3A_230 = arith.constant 0 : i32
      %add3A_231 = arith.addi %add3A_230, %mul3A_229 : i32
      %get3A_232 = arith.index_cast %add3A_231 : i32 to index
      %get3A_233 = tpu.vector_load %arg4[%get3A_232] {strides = array<i32>} : memref<32832xf32, #tpu.memory_space<vmem>>, vector<16xf32>,
      %get3A_234 = vector.shape_cast %get3A_233 : vector<16xf32> to vector<16xf32>
      %ge3A_235 = arith.constant 8.000000e-01 : f32
      %ge3A_236 = vector.broadcast %ge3A_235 : f32 to vector<16xf32>
      %ge3A_237 = arith.cmpf oge, %get3A_221, %ge3A_236 : vector<16xf32>
      %jit3A_238 = arith.constant 1.000000e+00 : f32
      %jit3A_239 = arith.constant 0.000000e+00 : f32
      %broadcast_in_dim3A_240 = vector.broadcast %jit3A_238 : f32 to vector<16xf32>
      %broadcast_in_dim3A_241 = vector.broadcast %jit3A_239 : f32 to vector<16xf32>
      %select_n3A_242 = arith.select %ge3A_237, %broadcast_in_dim3A_240, %broadcast_in_dim3A_241 : vector<16xi1>, vector<16xf32>
      %add3A_243 = arith.addf %add3A_201, %select_n3A_242 : vector<16xf32>
      %ge3A_244 = arith.constant 8.000000e-01 : f32
      %ge3A_245 = vector.broadcast %ge3A_244 : f32 to vector<16xf32>
      %ge3A_246 = arith.cmpf oge, %get3A_234, %ge3A_245 : vector<16xf32>
      %jit3A_247 = arith.constant 1.000000e+00 : f32
      %jit3A_248 = arith.constant 0.000000e+00 : f32
      %broadcast_in_dim3A_249 = vector.broadcast %jit3A_247 : f32 to vector<16xf32>
      %broadcast_in_dim3A_250 = vector.broadcast %jit3A_248 : f32 to vector<16xf32>
      %select_n3A_251 = arith.select %ge3A_246, %broadcast_in_dim3A_249, %broadcast_in_dim3A_250 : vector<16xi1>, vector<16xf32>
      %add3A_252 = arith.addf %add3A_210, %select_n3A_251 : vector<16xf32>
      %mul3A_253 = arith.constant 8 : i32
      %mul3A_254 = arith.muli %scan3A_128, %mul3A_253 : i32
      %add3A_255 = arith.constant 6 : i32
      %add3A_256 = arith.addi %mul3A_254, %add3A_255 : i32
      %mul3A_257 = arith.constant 16 : i32
      %mul3A_258 = arith.muli %add3A_256, %mul3A_257 : i32
      %add3A_259 = arith.constant 0 : i32
      %add3A_260 = arith.addi %add3A_259, %mul3A_258 : i32
      %get3A_261 = arith.index_cast %add3A_260 : i32 to index
      %get3A_262 = tpu.vector_load %arg4[%get3A_261] {strides = array<i32>} : memref<32832xf32, #tpu.memory_space<vmem>>, vector<16xf32>,
      %get3A_263 = vector.shape_cast %get3A_262 : vector<16xf32> to vector<16xf32>
      %mul3A_264 = arith.constant 8 : i32
      %mul3A_265 = arith.muli %scan3A_128, %mul3A_264 : i32
      %add3A_266 = arith.constant 6 : i32
      %add3A_267 = arith.addi %mul3A_265, %add3A_266 : i32
      %add3A_268 = arith.constant 1 : i32
      %add3A_269 = arith.addi %add3A_267, %add3A_268 : i32
      %mul3A_270 = arith.constant 16 : i32
      %mul3A_271 = arith.muli %add3A_269, %mul3A_270 : i32
      %add3A_272 = arith.constant 0 : i32
      %add3A_273 = arith.addi %add3A_272, %mul3A_271 : i32
      %get3A_274 = arith.index_cast %add3A_273 : i32 to index
      %get3A_275 = tpu.vector_load %arg4[%get3A_274] {strides = array<i32>} : memref<32832xf32, #tpu.memory_space<vmem>>, vector<16xf32>,
      %get3A_276 = vector.shape_cast %get3A_275 : vector<16xf32> to vector<16xf32>
      %ge3A_277 = arith.constant 8.000000e-01 : f32
      %ge3A_278 = vector.broadcast %ge3A_277 : f32 to vector<16xf32>
      %ge3A_279 = arith.cmpf oge, %get3A_263, %ge3A_278 : vector<16xf32>
      %jit3A_280 = arith.constant 1.000000e+00 : f32
      %jit3A_281 = arith.constant 0.000000e+00 : f32
      %broadcast_in_dim3A_282 = vector.broadcast %jit3A_280 : f32 to vector<16xf32>
      %broadcast_in_dim3A_283 = vector.broadcast %jit3A_281 : f32 to vector<16xf32>
      %select_n3A_284 = arith.select %ge3A_279, %broadcast_in_dim3A_282, %broadcast_in_dim3A_283 : vector<16xi1>, vector<16xf32>
      %add3A_285 = arith.addf %add3A_243, %select_n3A_284 : vector<16xf32>
      %ge3A_286 = arith.constant 8.000000e-01 : f32
      %ge3A_287 = vector.broadcast %ge3A_286 : f32 to vector<16xf32>
      %ge3A_288 = arith.cmpf oge, %get3A_276, %ge3A_287 : vector<16xf32>
      %jit3A_289 = arith.constant 1.000000e+00 : f32
      %jit3A_290 = arith.constant 0.000000e+00 : f32
      %broadcast_in_dim3A_291 = vector.broadcast %jit3A_289 : f32 to vector<16xf32>
      %broadcast_in_dim3A_292 = vector.broadcast %jit3A_290 : f32 to vector<16xf32>
      %select_n3A_293 = arith.select %ge3A_288, %broadcast_in_dim3A_291, %broadcast_in_dim3A_292 : vector<16xi1>, vector<16xf32>
      %add3A_294 = arith.addf %add3A_252, %select_n3A_293 : vector<16xf32>
      scf.yield %add3A_285, %add3A_294 : vector<16xf32>, vector<16xf32>
    }
    %scan3A_36 = arith.constant 128 : i32
    %add3A_37 = arith.addf %scan3A_35#0, %scan3A_35#1 : vector<16xf32>
    %swap3A = arith.constant 32768 : index
    %swap3A_38 = tpu.vector_load %arg4[%swap3A] {strides = array<i32>} : memref<32832xf32, #tpu.memory_space<vmem>>, vector<16xf32>,
    %swap3A_39 = vector.shape_cast %swap3A_38 : vector<16xf32> to vector<16xf32>
    %swap3A_40 = vector.shape_cast %add3A_37 : vector<16xf32> to vector<16xf32>
    tpu.vector_store %arg4[%swap3A], %swap3A_40 {strides = array<i32>} : memref<32832xf32, #tpu.memory_space<vmem>>, vector<16xf32>,
    %add3A_41 = arith.constant 512 : i32
    %add3A_42 = arith.addi %add3A_41, %mul3A_2 : i32
    %mul3A_43 = arith.constant 512 : i32
    %mul3A_44 = arith.muli %add3A_42, %mul3A_43 : i32
    %dma_wait3A_45 = arith.constant 16384 : i32
    %dma_wait3A_46 = tpu.memref_slice %arg4[%dma_wait3A_45] : memref<32832xf32, #tpu.memory_space<vmem>> -> memref<16384xf32, #tpu.memory_space<vmem>>
    %dma_wait3A_47 = tpu.memref_slice %arg2[%mul3A_44] : memref<1048576xf32, #tpu.memory_space<hbm>> -> memref<16384xf32, #tpu.memory_space<hbm>>
    %dma_wait3A_48 = arith.constant 16384 : i32
    %dma_wait3A_49 = tpu.memref_slice %arg4[%dma_wait3A_48] : memref<32832xf32, #tpu.memory_space<vmem>> -> memref<16384xf32, #tpu.memory_space<vmem>>
    %dma_wait3A_50 = tpu.memref_slice %arg2[%mul3A_44] : memref<1048576xf32, #tpu.memory_space<hbm>> -> memref<16384xf32, #tpu.memory_space<hbm>>
    tpu.wait_dma2 semaphore(%arg5 : memref<!tpu.dma_semaphore, #tpu.memory_space<semaphore_mem>>) src(%dma_wait3A_50 : memref<16384xf32, #tpu.memory_space<hbm>>) dst(%dma_wait3A_49 : memref<16384xf32, #tpu.memory_space<vmem>>)
    %add3A_51 = arith.constant 1024 : i32
    %add3A_52 = arith.addi %add3A_51, %mul3A_2 : i32
    %mul3A_53 = arith.constant 512 : i32
    %mul3A_54 = arith.muli %add3A_52, %mul3A_53 : i32
    %dma_start3A_55 = arith.constant 0 : i32
    %dma_start3A_56 = tpu.memref_slice %arg4[%dma_start3A_55] : memref<32832xf32, #tpu.memory_space<vmem>> -> memref<16384xf32, #tpu.memory_space<vmem>>
    %dma_start3A_57 = tpu.memref_slice %arg2[%mul3A_54] : memref<1048576xf32, #tpu.memory_space<hbm>> -> memref<16384xf32, #tpu.memory_space<hbm>>
    %dma_start3A_58 = arith.constant 0 : i32
    %dma_start3A_59 = tpu.memref_slice %arg4[%dma_start3A_58] : memref<32832xf32, #tpu.memory_space<vmem>> -> memref<16384xf32, #tpu.memory_space<vmem>>
    %dma_start3A_60 = tpu.memref_slice %arg2[%mul3A_54] : memref<1048576xf32, #tpu.memory_space<hbm>> -> memref<16384xf32, #tpu.memory_space<hbm>>
    tpu.enqueue_dma source(%dma_start3A_60 : memref<16384xf32, #tpu.memory_space<hbm>>) target(%dma_start3A_59 : memref<16384xf32, #tpu.memory_space<vmem>>) target_semaphore(%arg5 : memref<!tpu.dma_semaphore, #tpu.memory_space<semaphore_mem>>)
    %scan3A_61 = arith.constant 0 : i32
    %scan3A_62 = arith.constant 128 : i32
    %scan3A_63 = arith.addi %scan3A_61, %scan3A_62 : i32
    %scan3A_64 = arith.constant 1 : i32
    %scan3A_65:2 = scf.for %scan3A_128 = %scan3A_61 to %scan3A_63 step %scan3A_64 iter_args(%scan3A_129 = %broadcast_in_dim3A_3, %scan3A_130 = %broadcast_in_dim3A_3) -> (vector<16xf32>, vector<16xf32>)  : i32 {
      %mul3A_131 = arith.constant 8 : i32
      %mul3A_132 = arith.muli %scan3A_128, %mul3A_131 : i32
      %add3A_133 = arith.constant 0 : i32
      %add3A_134 = arith.addi %mul3A_132, %add3A_133 : i32
      %mul3A_135 = arith.constant 16 : i32
      %mul3A_136 = arith.muli %add3A_134, %mul3A_135 : i32
      %add3A_137 = arith.constant 16384 : i32
      %add3A_138 = arith.addi %add3A_137, %mul3A_136 : i32
      %get3A = arith.index_cast %add3A_138 : i32 to index
      %get3A_139 = tpu.vector_load %arg4[%get3A] {strides = array<i32>} : memref<32832xf32, #tpu.memory_space<vmem>>, vector<16xf32>,
      %get3A_140 = vector.shape_cast %get3A_139 : vector<16xf32> to vector<16xf32>
      %mul3A_141 = arith.constant 8 : i32
      %mul3A_142 = arith.muli %scan3A_128, %mul3A_141 : i32
      %add3A_143 = arith.constant 0 : i32
      %add3A_144 = arith.addi %mul3A_142, %add3A_143 : i32
      %add3A_145 = arith.constant 1 : i32
      %add3A_146 = arith.addi %add3A_144, %add3A_145 : i32
      %mul3A_147 = arith.constant 16 : i32
      %mul3A_148 = arith.muli %add3A_146, %mul3A_147 : i32
      %add3A_149 = arith.constant 16384 : i32
      %add3A_150 = arith.addi %add3A_149, %mul3A_148 : i32
      %get3A_151 = arith.index_cast %add3A_150 : i32 to index
      %get3A_152 = tpu.vector_load %arg4[%get3A_151] {strides = array<i32>} : memref<32832xf32, #tpu.memory_space<vmem>>, vector<16xf32>,
      %get3A_153 = vector.shape_cast %get3A_152 : vector<16xf32> to vector<16xf32>
      %ge3A = arith.constant 8.000000e-01 : f32
      %ge3A_154 = vector.broadcast %ge3A : f32 to vector<16xf32>
      %ge3A_155 = arith.cmpf oge, %get3A_140, %ge3A_154 : vector<16xf32>
      %jit3A = arith.constant 1.000000e+00 : f32
      %jit3A_156 = arith.constant 0.000000e+00 : f32
      %broadcast_in_dim3A_157 = vector.broadcast %jit3A : f32 to vector<16xf32>
      %broadcast_in_dim3A_158 = vector.broadcast %jit3A_156 : f32 to vector<16xf32>
      %select_n3A = arith.select %ge3A_155, %broadcast_in_dim3A_157, %broadcast_in_dim3A_158 : vector<16xi1>, vector<16xf32>
      %add3A_159 = arith.addf %scan3A_129, %select_n3A : vector<16xf32>
      %ge3A_160 = arith.constant 8.000000e-01 : f32
      %ge3A_161 = vector.broadcast %ge3A_160 : f32 to vector<16xf32>
      %ge3A_162 = arith.cmpf oge, %get3A_153, %ge3A_161 : vector<16xf32>
      %jit3A_163 = arith.constant 1.000000e+00 : f32
      %jit3A_164 = arith.constant 0.000000e+00 : f32
      %broadcast_in_dim3A_165 = vector.broadcast %jit3A_163 : f32 to vector<16xf32>
      %broadcast_in_dim3A_166 = vector.broadcast %jit3A_164 : f32 to vector<16xf32>
      %select_n3A_167 = arith.select %ge3A_162, %broadcast_in_dim3A_165, %broadcast_in_dim3A_166 : vector<16xi1>, vector<16xf32>
      %add3A_168 = arith.addf %scan3A_130, %select_n3A_167 : vector<16xf32>
      %mul3A_169 = arith.constant 8 : i32
      %mul3A_170 = arith.muli %scan3A_128, %mul3A_169 : i32
      %add3A_171 = arith.constant 2 : i32
      %add3A_172 = arith.addi %mul3A_170, %add3A_171 : i32
      %mul3A_173 = arith.constant 16 : i32
      %mul3A_174 = arith.muli %add3A_172, %mul3A_173 : i32
      %add3A_175 = arith.constant 16384 : i32
      %add3A_176 = arith.addi %add3A_175, %mul3A_174 : i32
      %get3A_177 = arith.index_cast %add3A_176 : i32 to index
      %get3A_178 = tpu.vector_load %arg4[%get3A_177] {strides = array<i32>} : memref<32832xf32, #tpu.memory_space<vmem>>, vector<16xf32>,
      %get3A_179 = vector.shape_cast %get3A_178 : vector<16xf32> to vector<16xf32>
      %mul3A_180 = arith.constant 8 : i32
      %mul3A_181 = arith.muli %scan3A_128, %mul3A_180 : i32
      %add3A_182 = arith.constant 2 : i32
      %add3A_183 = arith.addi %mul3A_181, %add3A_182 : i32
      %add3A_184 = arith.constant 1 : i32
      %add3A_185 = arith.addi %add3A_183, %add3A_184 : i32
      %mul3A_186 = arith.constant 16 : i32
      %mul3A_187 = arith.muli %add3A_185, %mul3A_186 : i32
      %add3A_188 = arith.constant 16384 : i32
      %add3A_189 = arith.addi %add3A_188, %mul3A_187 : i32
      %get3A_190 = arith.index_cast %add3A_189 : i32 to index
      %get3A_191 = tpu.vector_load %arg4[%get3A_190] {strides = array<i32>} : memref<32832xf32, #tpu.memory_space<vmem>>, vector<16xf32>,
      %get3A_192 = vector.shape_cast %get3A_191 : vector<16xf32> to vector<16xf32>
      %ge3A_193 = arith.constant 8.000000e-01 : f32
      %ge3A_194 = vector.broadcast %ge3A_193 : f32 to vector<16xf32>
      %ge3A_195 = arith.cmpf oge, %get3A_179, %ge3A_194 : vector<16xf32>
      %jit3A_196 = arith.constant 1.000000e+00 : f32
      %jit3A_197 = arith.constant 0.000000e+00 : f32
      %broadcast_in_dim3A_198 = vector.broadcast %jit3A_196 : f32 to vector<16xf32>
      %broadcast_in_dim3A_199 = vector.broadcast %jit3A_197 : f32 to vector<16xf32>
      %select_n3A_200 = arith.select %ge3A_195, %broadcast_in_dim3A_198, %broadcast_in_dim3A_199 : vector<16xi1>, vector<16xf32>
      %add3A_201 = arith.addf %add3A_159, %select_n3A_200 : vector<16xf32>
      %ge3A_202 = arith.constant 8.000000e-01 : f32
      %ge3A_203 = vector.broadcast %ge3A_202 : f32 to vector<16xf32>
      %ge3A_204 = arith.cmpf oge, %get3A_192, %ge3A_203 : vector<16xf32>
      %jit3A_205 = arith.constant 1.000000e+00 : f32
      %jit3A_206 = arith.constant 0.000000e+00 : f32
      %broadcast_in_dim3A_207 = vector.broadcast %jit3A_205 : f32 to vector<16xf32>
      %broadcast_in_dim3A_208 = vector.broadcast %jit3A_206 : f32 to vector<16xf32>
      %select_n3A_209 = arith.select %ge3A_204, %broadcast_in_dim3A_207, %broadcast_in_dim3A_208 : vector<16xi1>, vector<16xf32>
      %add3A_210 = arith.addf %add3A_168, %select_n3A_209 : vector<16xf32>
      %mul3A_211 = arith.constant 8 : i32
      %mul3A_212 = arith.muli %scan3A_128, %mul3A_211 : i32
      %add3A_213 = arith.constant 4 : i32
      %add3A_214 = arith.addi %mul3A_212, %add3A_213 : i32
      %mul3A_215 = arith.constant 16 : i32
      %mul3A_216 = arith.muli %add3A_214, %mul3A_215 : i32
      %add3A_217 = arith.constant 16384 : i32
      %add3A_218 = arith.addi %add3A_217, %mul3A_216 : i32
      %get3A_219 = arith.index_cast %add3A_218 : i32 to index
      %get3A_220 = tpu.vector_load %arg4[%get3A_219] {strides = array<i32>} : memref<32832xf32, #tpu.memory_space<vmem>>, vector<16xf32>,
      %get3A_221 = vector.shape_cast %get3A_220 : vector<16xf32> to vector<16xf32>
      %mul3A_222 = arith.constant 8 : i32
      %mul3A_223 = arith.muli %scan3A_128, %mul3A_222 : i32
      %add3A_224 = arith.constant 4 : i32
      %add3A_225 = arith.addi %mul3A_223, %add3A_224 : i32
      %add3A_226 = arith.constant 1 : i32
      %add3A_227 = arith.addi %add3A_225, %add3A_226 : i32
      %mul3A_228 = arith.constant 16 : i32
      %mul3A_229 = arith.muli %add3A_227, %mul3A_228 : i32
      %add3A_230 = arith.constant 16384 : i32
      %add3A_231 = arith.addi %add3A_230, %mul3A_229 : i32
      %get3A_232 = arith.index_cast %add3A_231 : i32 to index
      %get3A_233 = tpu.vector_load %arg4[%get3A_232] {strides = array<i32>} : memref<32832xf32, #tpu.memory_space<vmem>>, vector<16xf32>,
      %get3A_234 = vector.shape_cast %get3A_233 : vector<16xf32> to vector<16xf32>
      %ge3A_235 = arith.constant 8.000000e-01 : f32
      %ge3A_236 = vector.broadcast %ge3A_235 : f32 to vector<16xf32>
      %ge3A_237 = arith.cmpf oge, %get3A_221, %ge3A_236 : vector<16xf32>
      %jit3A_238 = arith.constant 1.000000e+00 : f32
      %jit3A_239 = arith.constant 0.000000e+00 : f32
      %broadcast_in_dim3A_240 = vector.broadcast %jit3A_238 : f32 to vector<16xf32>
      %broadcast_in_dim3A_241 = vector.broadcast %jit3A_239 : f32 to vector<16xf32>
      %select_n3A_242 = arith.select %ge3A_237, %broadcast_in_dim3A_240, %broadcast_in_dim3A_241 : vector<16xi1>, vector<16xf32>
      %add3A_243 = arith.addf %add3A_201, %select_n3A_242 : vector<16xf32>
      %ge3A_244 = arith.constant 8.000000e-01 : f32
      %ge3A_245 = vector.broadcast %ge3A_244 : f32 to vector<16xf32>
      %ge3A_246 = arith.cmpf oge, %get3A_234, %ge3A_245 : vector<16xf32>
      %jit3A_247 = arith.constant 1.000000e+00 : f32
      %jit3A_248 = arith.constant 0.000000e+00 : f32
      %broadcast_in_dim3A_249 = vector.broadcast %jit3A_247 : f32 to vector<16xf32>
      %broadcast_in_dim3A_250 = vector.broadcast %jit3A_248 : f32 to vector<16xf32>
      %select_n3A_251 = arith.select %ge3A_246, %broadcast_in_dim3A_249, %broadcast_in_dim3A_250 : vector<16xi1>, vector<16xf32>
      %add3A_252 = arith.addf %add3A_210, %select_n3A_251 : vector<16xf32>
      %mul3A_253 = arith.constant 8 : i32
      %mul3A_254 = arith.muli %scan3A_128, %mul3A_253 : i32
      %add3A_255 = arith.constant 6 : i32
      %add3A_256 = arith.addi %mul3A_254, %add3A_255 : i32
      %mul3A_257 = arith.constant 16 : i32
      %mul3A_258 = arith.muli %add3A_256, %mul3A_257 : i32
      %add3A_259 = arith.constant 16384 : i32
      %add3A_260 = arith.addi %add3A_259, %mul3A_258 : i32
      %get3A_261 = arith.index_cast %add3A_260 : i32 to index
      %get3A_262 = tpu.vector_load %arg4[%get3A_261] {strides = array<i32>} : memref<32832xf32, #tpu.memory_space<vmem>>, vector<16xf32>,
      %get3A_263 = vector.shape_cast %get3A_262 : vector<16xf32> to vector<16xf32>
      %mul3A_264 = arith.constant 8 : i32
      %mul3A_265 = arith.muli %scan3A_128, %mul3A_264 : i32
      %add3A_266 = arith.constant 6 : i32
      %add3A_267 = arith.addi %mul3A_265, %add3A_266 : i32
      %add3A_268 = arith.constant 1 : i32
      %add3A_269 = arith.addi %add3A_267, %add3A_268 : i32
      %mul3A_270 = arith.constant 16 : i32
      %mul3A_271 = arith.muli %add3A_269, %mul3A_270 : i32
      %add3A_272 = arith.constant 16384 : i32
      %add3A_273 = arith.addi %add3A_272, %mul3A_271 : i32
      %get3A_274 = arith.index_cast %add3A_273 : i32 to index
      %get3A_275 = tpu.vector_load %arg4[%get3A_274] {strides = array<i32>} : memref<32832xf32, #tpu.memory_space<vmem>>, vector<16xf32>,
      %get3A_276 = vector.shape_cast %get3A_275 : vector<16xf32> to vector<16xf32>
      %ge3A_277 = arith.constant 8.000000e-01 : f32
      %ge3A_278 = vector.broadcast %ge3A_277 : f32 to vector<16xf32>
      %ge3A_279 = arith.cmpf oge, %get3A_263, %ge3A_278 : vector<16xf32>
      %jit3A_280 = arith.constant 1.000000e+00 : f32
      %jit3A_281 = arith.constant 0.000000e+00 : f32
      %broadcast_in_dim3A_282 = vector.broadcast %jit3A_280 : f32 to vector<16xf32>
      %broadcast_in_dim3A_283 = vector.broadcast %jit3A_281 : f32 to vector<16xf32>
      %select_n3A_284 = arith.select %ge3A_279, %broadcast_in_dim3A_282, %broadcast_in_dim3A_283 : vector<16xi1>, vector<16xf32>
      %add3A_285 = arith.addf %add3A_243, %select_n3A_284 : vector<16xf32>
      %ge3A_286 = arith.constant 8.000000e-01 : f32
      %ge3A_287 = vector.broadcast %ge3A_286 : f32 to vector<16xf32>
      %ge3A_288 = arith.cmpf oge, %get3A_276, %ge3A_287 : vector<16xf32>
      %jit3A_289 = arith.constant 1.000000e+00 : f32
      %jit3A_290 = arith.constant 0.000000e+00 : f32
      %broadcast_in_dim3A_291 = vector.broadcast %jit3A_289 : f32 to vector<16xf32>
      %broadcast_in_dim3A_292 = vector.broadcast %jit3A_290 : f32 to vector<16xf32>
      %select_n3A_293 = arith.select %ge3A_288, %broadcast_in_dim3A_291, %broadcast_in_dim3A_292 : vector<16xi1>, vector<16xf32>
      %add3A_294 = arith.addf %add3A_252, %select_n3A_293 : vector<16xf32>
      scf.yield %add3A_285, %add3A_294 : vector<16xf32>, vector<16xf32>
    }
    %scan3A_66 = arith.constant 128 : i32
    %add3A_67 = arith.addf %scan3A_65#0, %scan3A_65#1 : vector<16xf32>
    %swap3A_68 = arith.constant 32784 : index
    %swap3A_69 = tpu.vector_load %arg4[%swap3A_68] {strides = array<i32>} : memref<32832xf32, #tpu.memory_space<vmem>>, vector<16xf32>,
    %swap3A_70 = vector.shape_cast %swap3A_69 : vector<16xf32> to vector<16xf32>
    %swap3A_71 = vector.shape_cast %add3A_67 : vector<16xf32> to vector<16xf32>
    tpu.vector_store %arg4[%swap3A_68], %swap3A_71 {strides = array<i32>} : memref<32832xf32, #tpu.memory_space<vmem>>, vector<16xf32>,
    %add3A_72 = arith.constant 1024 : i32
    %add3A_73 = arith.addi %add3A_72, %mul3A_2 : i32
    %mul3A_74 = arith.constant 512 : i32
    %mul3A_75 = arith.muli %add3A_73, %mul3A_74 : i32
    %dma_wait3A_76 = arith.constant 0 : i32
    %dma_wait3A_77 = tpu.memref_slice %arg4[%dma_wait3A_76] : memref<32832xf32, #tpu.memory_space<vmem>> -> memref<16384xf32, #tpu.memory_space<vmem>>
    %dma_wait3A_78 = tpu.memref_slice %arg2[%mul3A_75] : memref<1048576xf32, #tpu.memory_space<hbm>> -> memref<16384xf32, #tpu.memory_space<hbm>>
    %dma_wait3A_79 = arith.constant 0 : i32
    %dma_wait3A_80 = tpu.memref_slice %arg4[%dma_wait3A_79] : memref<32832xf32, #tpu.memory_space<vmem>> -> memref<16384xf32, #tpu.memory_space<vmem>>
    %dma_wait3A_81 = tpu.memref_slice %arg2[%mul3A_75] : memref<1048576xf32, #tpu.memory_space<hbm>> -> memref<16384xf32, #tpu.memory_space<hbm>>
    tpu.wait_dma2 semaphore(%arg5 : memref<!tpu.dma_semaphore, #tpu.memory_space<semaphore_mem>>) src(%dma_wait3A_81 : memref<16384xf32, #tpu.memory_space<hbm>>) dst(%dma_wait3A_80 : memref<16384xf32, #tpu.memory_space<vmem>>)
    %add3A_82 = arith.constant 1536 : i32
    %add3A_83 = arith.addi %add3A_82, %mul3A_2 : i32
    %mul3A_84 = arith.constant 512 : i32
    %mul3A_85 = arith.muli %add3A_83, %mul3A_84 : i32
    %dma_start3A_86 = arith.constant 16384 : i32
    %dma_start3A_87 = tpu.memref_slice %arg4[%dma_start3A_86] : memref<32832xf32, #tpu.memory_space<vmem>> -> memref<16384xf32, #tpu.memory_space<vmem>>
    %dma_start3A_88 = tpu.memref_slice %arg2[%mul3A_85] : memref<1048576xf32, #tpu.memory_space<hbm>> -> memref<16384xf32, #tpu.memory_space<hbm>>
    %dma_start3A_89 = arith.constant 16384 : i32
    %dma_start3A_90 = tpu.memref_slice %arg4[%dma_start3A_89] : memref<32832xf32, #tpu.memory_space<vmem>> -> memref<16384xf32, #tpu.memory_space<vmem>>
    %dma_start3A_91 = tpu.memref_slice %arg2[%mul3A_85] : memref<1048576xf32, #tpu.memory_space<hbm>> -> memref<16384xf32, #tpu.memory_space<hbm>>
    tpu.enqueue_dma source(%dma_start3A_91 : memref<16384xf32, #tpu.memory_space<hbm>>) target(%dma_start3A_90 : memref<16384xf32, #tpu.memory_space<vmem>>) target_semaphore(%arg5 : memref<!tpu.dma_semaphore, #tpu.memory_space<semaphore_mem>>)
    %scan3A_92 = arith.constant 0 : i32
    %scan3A_93 = arith.constant 128 : i32
    %scan3A_94 = arith.addi %scan3A_92, %scan3A_93 : i32
    %scan3A_95 = arith.constant 1 : i32
    %scan3A_96:2 = scf.for %scan3A_128 = %scan3A_92 to %scan3A_94 step %scan3A_95 iter_args(%scan3A_129 = %broadcast_in_dim3A_3, %scan3A_130 = %broadcast_in_dim3A_3) -> (vector<16xf32>, vector<16xf32>)  : i32 {
      %mul3A_131 = arith.constant 8 : i32
      %mul3A_132 = arith.muli %scan3A_128, %mul3A_131 : i32
      %add3A_133 = arith.constant 0 : i32
      %add3A_134 = arith.addi %mul3A_132, %add3A_133 : i32
      %mul3A_135 = arith.constant 16 : i32
      %mul3A_136 = arith.muli %add3A_134, %mul3A_135 : i32
      %add3A_137 = arith.constant 0 : i32
      %add3A_138 = arith.addi %add3A_137, %mul3A_136 : i32
      %get3A = arith.index_cast %add3A_138 : i32 to index
      %get3A_139 = tpu.vector_load %arg4[%get3A] {strides = array<i32>} : memref<32832xf32, #tpu.memory_space<vmem>>, vector<16xf32>,
      %get3A_140 = vector.shape_cast %get3A_139 : vector<16xf32> to vector<16xf32>
      %mul3A_141 = arith.constant 8 : i32
      %mul3A_142 = arith.muli %scan3A_128, %mul3A_141 : i32
      %add3A_143 = arith.constant 0 : i32
      %add3A_144 = arith.addi %mul3A_142, %add3A_143 : i32
      %add3A_145 = arith.constant 1 : i32
      %add3A_146 = arith.addi %add3A_144, %add3A_145 : i32
      %mul3A_147 = arith.constant 16 : i32
      %mul3A_148 = arith.muli %add3A_146, %mul3A_147 : i32
      %add3A_149 = arith.constant 0 : i32
      %add3A_150 = arith.addi %add3A_149, %mul3A_148 : i32
      %get3A_151 = arith.index_cast %add3A_150 : i32 to index
      %get3A_152 = tpu.vector_load %arg4[%get3A_151] {strides = array<i32>} : memref<32832xf32, #tpu.memory_space<vmem>>, vector<16xf32>,
      %get3A_153 = vector.shape_cast %get3A_152 : vector<16xf32> to vector<16xf32>
      %ge3A = arith.constant 8.000000e-01 : f32
      %ge3A_154 = vector.broadcast %ge3A : f32 to vector<16xf32>
      %ge3A_155 = arith.cmpf oge, %get3A_140, %ge3A_154 : vector<16xf32>
      %jit3A = arith.constant 1.000000e+00 : f32
      %jit3A_156 = arith.constant 0.000000e+00 : f32
      %broadcast_in_dim3A_157 = vector.broadcast %jit3A : f32 to vector<16xf32>
      %broadcast_in_dim3A_158 = vector.broadcast %jit3A_156 : f32 to vector<16xf32>
      %select_n3A = arith.select %ge3A_155, %broadcast_in_dim3A_157, %broadcast_in_dim3A_158 : vector<16xi1>, vector<16xf32>
      %add3A_159 = arith.addf %scan3A_129, %select_n3A : vector<16xf32>
      %ge3A_160 = arith.constant 8.000000e-01 : f32
      %ge3A_161 = vector.broadcast %ge3A_160 : f32 to vector<16xf32>
      %ge3A_162 = arith.cmpf oge, %get3A_153, %ge3A_161 : vector<16xf32>
      %jit3A_163 = arith.constant 1.000000e+00 : f32
      %jit3A_164 = arith.constant 0.000000e+00 : f32
      %broadcast_in_dim3A_165 = vector.broadcast %jit3A_163 : f32 to vector<16xf32>
      %broadcast_in_dim3A_166 = vector.broadcast %jit3A_164 : f32 to vector<16xf32>
      %select_n3A_167 = arith.select %ge3A_162, %broadcast_in_dim3A_165, %broadcast_in_dim3A_166 : vector<16xi1>, vector<16xf32>
      %add3A_168 = arith.addf %scan3A_130, %select_n3A_167 : vector<16xf32>
      %mul3A_169 = arith.constant 8 : i32
      %mul3A_170 = arith.muli %scan3A_128, %mul3A_169 : i32
      %add3A_171 = arith.constant 2 : i32
      %add3A_172 = arith.addi %mul3A_170, %add3A_171 : i32
      %mul3A_173 = arith.constant 16 : i32
      %mul3A_174 = arith.muli %add3A_172, %mul3A_173 : i32
      %add3A_175 = arith.constant 0 : i32
      %add3A_176 = arith.addi %add3A_175, %mul3A_174 : i32
      %get3A_177 = arith.index_cast %add3A_176 : i32 to index
      %get3A_178 = tpu.vector_load %arg4[%get3A_177] {strides = array<i32>} : memref<32832xf32, #tpu.memory_space<vmem>>, vector<16xf32>,
      %get3A_179 = vector.shape_cast %get3A_178 : vector<16xf32> to vector<16xf32>
      %mul3A_180 = arith.constant 8 : i32
      %mul3A_181 = arith.muli %scan3A_128, %mul3A_180 : i32
      %add3A_182 = arith.constant 2 : i32
      %add3A_183 = arith.addi %mul3A_181, %add3A_182 : i32
      %add3A_184 = arith.constant 1 : i32
      %add3A_185 = arith.addi %add3A_183, %add3A_184 : i32
      %mul3A_186 = arith.constant 16 : i32
      %mul3A_187 = arith.muli %add3A_185, %mul3A_186 : i32
      %add3A_188 = arith.constant 0 : i32
      %add3A_189 = arith.addi %add3A_188, %mul3A_187 : i32
      %get3A_190 = arith.index_cast %add3A_189 : i32 to index
      %get3A_191 = tpu.vector_load %arg4[%get3A_190] {strides = array<i32>} : memref<32832xf32, #tpu.memory_space<vmem>>, vector<16xf32>,
      %get3A_192 = vector.shape_cast %get3A_191 : vector<16xf32> to vector<16xf32>
      %ge3A_193 = arith.constant 8.000000e-01 : f32
      %ge3A_194 = vector.broadcast %ge3A_193 : f32 to vector<16xf32>
      %ge3A_195 = arith.cmpf oge, %get3A_179, %ge3A_194 : vector<16xf32>
      %jit3A_196 = arith.constant 1.000000e+00 : f32
      %jit3A_197 = arith.constant 0.000000e+00 : f32
      %broadcast_in_dim3A_198 = vector.broadcast %jit3A_196 : f32 to vector<16xf32>
      %broadcast_in_dim3A_199 = vector.broadcast %jit3A_197 : f32 to vector<16xf32>
      %select_n3A_200 = arith.select %ge3A_195, %broadcast_in_dim3A_198, %broadcast_in_dim3A_199 : vector<16xi1>, vector<16xf32>
      %add3A_201 = arith.addf %add3A_159, %select_n3A_200 : vector<16xf32>
      %ge3A_202 = arith.constant 8.000000e-01 : f32
      %ge3A_203 = vector.broadcast %ge3A_202 : f32 to vector<16xf32>
      %ge3A_204 = arith.cmpf oge, %get3A_192, %ge3A_203 : vector<16xf32>
      %jit3A_205 = arith.constant 1.000000e+00 : f32
      %jit3A_206 = arith.constant 0.000000e+00 : f32
      %broadcast_in_dim3A_207 = vector.broadcast %jit3A_205 : f32 to vector<16xf32>
      %broadcast_in_dim3A_208 = vector.broadcast %jit3A_206 : f32 to vector<16xf32>
      %select_n3A_209 = arith.select %ge3A_204, %broadcast_in_dim3A_207, %broadcast_in_dim3A_208 : vector<16xi1>, vector<16xf32>
      %add3A_210 = arith.addf %add3A_168, %select_n3A_209 : vector<16xf32>
      %mul3A_211 = arith.constant 8 : i32
      %mul3A_212 = arith.muli %scan3A_128, %mul3A_211 : i32
      %add3A_213 = arith.constant 4 : i32
      %add3A_214 = arith.addi %mul3A_212, %add3A_213 : i32
      %mul3A_215 = arith.constant 16 : i32
      %mul3A_216 = arith.muli %add3A_214, %mul3A_215 : i32
      %add3A_217 = arith.constant 0 : i32
      %add3A_218 = arith.addi %add3A_217, %mul3A_216 : i32
      %get3A_219 = arith.index_cast %add3A_218 : i32 to index
      %get3A_220 = tpu.vector_load %arg4[%get3A_219] {strides = array<i32>} : memref<32832xf32, #tpu.memory_space<vmem>>, vector<16xf32>,
      %get3A_221 = vector.shape_cast %get3A_220 : vector<16xf32> to vector<16xf32>
      %mul3A_222 = arith.constant 8 : i32
      %mul3A_223 = arith.muli %scan3A_128, %mul3A_222 : i32
      %add3A_224 = arith.constant 4 : i32
      %add3A_225 = arith.addi %mul3A_223, %add3A_224 : i32
      %add3A_226 = arith.constant 1 : i32
      %add3A_227 = arith.addi %add3A_225, %add3A_226 : i32
      %mul3A_228 = arith.constant 16 : i32
      %mul3A_229 = arith.muli %add3A_227, %mul3A_228 : i32
      %add3A_230 = arith.constant 0 : i32
      %add3A_231 = arith.addi %add3A_230, %mul3A_229 : i32
      %get3A_232 = arith.index_cast %add3A_231 : i32 to index
      %get3A_233 = tpu.vector_load %arg4[%get3A_232] {strides = array<i32>} : memref<32832xf32, #tpu.memory_space<vmem>>, vector<16xf32>,
      %get3A_234 = vector.shape_cast %get3A_233 : vector<16xf32> to vector<16xf32>
      %ge3A_235 = arith.constant 8.000000e-01 : f32
      %ge3A_236 = vector.broadcast %ge3A_235 : f32 to vector<16xf32>
      %ge3A_237 = arith.cmpf oge, %get3A_221, %ge3A_236 : vector<16xf32>
      %jit3A_238 = arith.constant 1.000000e+00 : f32
      %jit3A_239 = arith.constant 0.000000e+00 : f32
      %broadcast_in_dim3A_240 = vector.broadcast %jit3A_238 : f32 to vector<16xf32>
      %broadcast_in_dim3A_241 = vector.broadcast %jit3A_239 : f32 to vector<16xf32>
      %select_n3A_242 = arith.select %ge3A_237, %broadcast_in_dim3A_240, %broadcast_in_dim3A_241 : vector<16xi1>, vector<16xf32>
      %add3A_243 = arith.addf %add3A_201, %select_n3A_242 : vector<16xf32>
      %ge3A_244 = arith.constant 8.000000e-01 : f32
      %ge3A_245 = vector.broadcast %ge3A_244 : f32 to vector<16xf32>
      %ge3A_246 = arith.cmpf oge, %get3A_234, %ge3A_245 : vector<16xf32>
      %jit3A_247 = arith.constant 1.000000e+00 : f32
      %jit3A_248 = arith.constant 0.000000e+00 : f32
      %broadcast_in_dim3A_249 = vector.broadcast %jit3A_247 : f32 to vector<16xf32>
      %broadcast_in_dim3A_250 = vector.broadcast %jit3A_248 : f32 to vector<16xf32>
      %select_n3A_251 = arith.select %ge3A_246, %broadcast_in_dim3A_249, %broadcast_in_dim3A_250 : vector<16xi1>, vector<16xf32>
      %add3A_252 = arith.addf %add3A_210, %select_n3A_251 : vector<16xf32>
      %mul3A_253 = arith.constant 8 : i32
      %mul3A_254 = arith.muli %scan3A_128, %mul3A_253 : i32
      %add3A_255 = arith.constant 6 : i32
      %add3A_256 = arith.addi %mul3A_254, %add3A_255 : i32
      %mul3A_257 = arith.constant 16 : i32
      %mul3A_258 = arith.muli %add3A_256, %mul3A_257 : i32
      %add3A_259 = arith.constant 0 : i32
      %add3A_260 = arith.addi %add3A_259, %mul3A_258 : i32
      %get3A_261 = arith.index_cast %add3A_260 : i32 to index
      %get3A_262 = tpu.vector_load %arg4[%get3A_261] {strides = array<i32>} : memref<32832xf32, #tpu.memory_space<vmem>>, vector<16xf32>,
      %get3A_263 = vector.shape_cast %get3A_262 : vector<16xf32> to vector<16xf32>
      %mul3A_264 = arith.constant 8 : i32
      %mul3A_265 = arith.muli %scan3A_128, %mul3A_264 : i32
      %add3A_266 = arith.constant 6 : i32
      %add3A_267 = arith.addi %mul3A_265, %add3A_266 : i32
      %add3A_268 = arith.constant 1 : i32
      %add3A_269 = arith.addi %add3A_267, %add3A_268 : i32
      %mul3A_270 = arith.constant 16 : i32
      %mul3A_271 = arith.muli %add3A_269, %mul3A_270 : i32
      %add3A_272 = arith.constant 0 : i32
      %add3A_273 = arith.addi %add3A_272, %mul3A_271 : i32
      %get3A_274 = arith.index_cast %add3A_273 : i32 to index
      %get3A_275 = tpu.vector_load %arg4[%get3A_274] {strides = array<i32>} : memref<32832xf32, #tpu.memory_space<vmem>>, vector<16xf32>,
      %get3A_276 = vector.shape_cast %get3A_275 : vector<16xf32> to vector<16xf32>
      %ge3A_277 = arith.constant 8.000000e-01 : f32
      %ge3A_278 = vector.broadcast %ge3A_277 : f32 to vector<16xf32>
      %ge3A_279 = arith.cmpf oge, %get3A_263, %ge3A_278 : vector<16xf32>
      %jit3A_280 = arith.constant 1.000000e+00 : f32
      %jit3A_281 = arith.constant 0.000000e+00 : f32
      %broadcast_in_dim3A_282 = vector.broadcast %jit3A_280 : f32 to vector<16xf32>
      %broadcast_in_dim3A_283 = vector.broadcast %jit3A_281 : f32 to vector<16xf32>
      %select_n3A_284 = arith.select %ge3A_279, %broadcast_in_dim3A_282, %broadcast_in_dim3A_283 : vector<16xi1>, vector<16xf32>
      %add3A_285 = arith.addf %add3A_243, %select_n3A_284 : vector<16xf32>
      %ge3A_286 = arith.constant 8.000000e-01 : f32
      %ge3A_287 = vector.broadcast %ge3A_286 : f32 to vector<16xf32>
      %ge3A_288 = arith.cmpf oge, %get3A_276, %ge3A_287 : vector<16xf32>
      %jit3A_289 = arith.constant 1.000000e+00 : f32
      %jit3A_290 = arith.constant 0.000000e+00 : f32
      %broadcast_in_dim3A_291 = vector.broadcast %jit3A_289 : f32 to vector<16xf32>
      %broadcast_in_dim3A_292 = vector.broadcast %jit3A_290 : f32 to vector<16xf32>
      %select_n3A_293 = arith.select %ge3A_288, %broadcast_in_dim3A_291, %broadcast_in_dim3A_292 : vector<16xi1>, vector<16xf32>
      %add3A_294 = arith.addf %add3A_252, %select_n3A_293 : vector<16xf32>
      scf.yield %add3A_285, %add3A_294 : vector<16xf32>, vector<16xf32>
    }
    %scan3A_97 = arith.constant 128 : i32
    %add3A_98 = arith.addf %scan3A_96#0, %scan3A_96#1 : vector<16xf32>
    %swap3A_99 = arith.constant 32800 : index
    %swap3A_100 = tpu.vector_load %arg4[%swap3A_99] {strides = array<i32>} : memref<32832xf32, #tpu.memory_space<vmem>>, vector<16xf32>,
    %swap3A_101 = vector.shape_cast %swap3A_100 : vector<16xf32> to vector<16xf32>
    %swap3A_102 = vector.shape_cast %add3A_98 : vector<16xf32> to vector<16xf32>
    tpu.vector_store %arg4[%swap3A_99], %swap3A_102 {strides = array<i32>} : memref<32832xf32, #tpu.memory_space<vmem>>, vector<16xf32>,
    %add3A_103 = arith.constant 1536 : i32
    %add3A_104 = arith.addi %add3A_103, %mul3A_2 : i32
    %mul3A_105 = arith.constant 512 : i32
    %mul3A_106 = arith.muli %add3A_104, %mul3A_105 : i32
    %dma_wait3A_107 = arith.constant 16384 : i32
    %dma_wait3A_108 = tpu.memref_slice %arg4[%dma_wait3A_107] : memref<32832xf32, #tpu.memory_space<vmem>> -> memref<16384xf32, #tpu.memory_space<vmem>>
    %dma_wait3A_109 = tpu.memref_slice %arg2[%mul3A_106] : memref<1048576xf32, #tpu.memory_space<hbm>> -> memref<16384xf32, #tpu.memory_space<hbm>>
    %dma_wait3A_110 = arith.constant 16384 : i32
    %dma_wait3A_111 = tpu.memref_slice %arg4[%dma_wait3A_110] : memref<32832xf32, #tpu.memory_space<vmem>> -> memref<16384xf32, #tpu.memory_space<vmem>>
    %dma_wait3A_112 = tpu.memref_slice %arg2[%mul3A_106] : memref<1048576xf32, #tpu.memory_space<hbm>> -> memref<16384xf32, #tpu.memory_space<hbm>>
    tpu.wait_dma2 semaphore(%arg5 : memref<!tpu.dma_semaphore, #tpu.memory_space<semaphore_mem>>) src(%dma_wait3A_112 : memref<16384xf32, #tpu.memory_space<hbm>>) dst(%dma_wait3A_111 : memref<16384xf32, #tpu.memory_space<vmem>>)
    %scan3A_113 = arith.constant 0 : i32
    %scan3A_114 = arith.constant 128 : i32
    %scan3A_115 = arith.addi %scan3A_113, %scan3A_114 : i32
    %scan3A_116 = arith.constant 1 : i32
    %scan3A_117:2 = scf.for %scan3A_128 = %scan3A_113 to %scan3A_115 step %scan3A_116 iter_args(%scan3A_129 = %broadcast_in_dim3A_3, %scan3A_130 = %broadcast_in_dim3A_3) -> (vector<16xf32>, vector<16xf32>)  : i32 {
      %mul3A_131 = arith.constant 8 : i32
      %mul3A_132 = arith.muli %scan3A_128, %mul3A_131 : i32
      %add3A_133 = arith.constant 0 : i32
      %add3A_134 = arith.addi %mul3A_132, %add3A_133 : i32
      %mul3A_135 = arith.constant 16 : i32
      %mul3A_136 = arith.muli %add3A_134, %mul3A_135 : i32
      %add3A_137 = arith.constant 16384 : i32
      %add3A_138 = arith.addi %add3A_137, %mul3A_136 : i32
      %get3A = arith.index_cast %add3A_138 : i32 to index
      %get3A_139 = tpu.vector_load %arg4[%get3A] {strides = array<i32>} : memref<32832xf32, #tpu.memory_space<vmem>>, vector<16xf32>,
      %get3A_140 = vector.shape_cast %get3A_139 : vector<16xf32> to vector<16xf32>
      %mul3A_141 = arith.constant 8 : i32
      %mul3A_142 = arith.muli %scan3A_128, %mul3A_141 : i32
      %add3A_143 = arith.constant 0 : i32
      %add3A_144 = arith.addi %mul3A_142, %add3A_143 : i32
      %add3A_145 = arith.constant 1 : i32
      %add3A_146 = arith.addi %add3A_144, %add3A_145 : i32
      %mul3A_147 = arith.constant 16 : i32
      %mul3A_148 = arith.muli %add3A_146, %mul3A_147 : i32
      %add3A_149 = arith.constant 16384 : i32
      %add3A_150 = arith.addi %add3A_149, %mul3A_148 : i32
      %get3A_151 = arith.index_cast %add3A_150 : i32 to index
      %get3A_152 = tpu.vector_load %arg4[%get3A_151] {strides = array<i32>} : memref<32832xf32, #tpu.memory_space<vmem>>, vector<16xf32>,
      %get3A_153 = vector.shape_cast %get3A_152 : vector<16xf32> to vector<16xf32>
      %ge3A = arith.constant 8.000000e-01 : f32
      %ge3A_154 = vector.broadcast %ge3A : f32 to vector<16xf32>
      %ge3A_155 = arith.cmpf oge, %get3A_140, %ge3A_154 : vector<16xf32>
      %jit3A = arith.constant 1.000000e+00 : f32
      %jit3A_156 = arith.constant 0.000000e+00 : f32
      %broadcast_in_dim3A_157 = vector.broadcast %jit3A : f32 to vector<16xf32>
      %broadcast_in_dim3A_158 = vector.broadcast %jit3A_156 : f32 to vector<16xf32>
      %select_n3A = arith.select %ge3A_155, %broadcast_in_dim3A_157, %broadcast_in_dim3A_158 : vector<16xi1>, vector<16xf32>
      %add3A_159 = arith.addf %scan3A_129, %select_n3A : vector<16xf32>
      %ge3A_160 = arith.constant 8.000000e-01 : f32
      %ge3A_161 = vector.broadcast %ge3A_160 : f32 to vector<16xf32>
      %ge3A_162 = arith.cmpf oge, %get3A_153, %ge3A_161 : vector<16xf32>
      %jit3A_163 = arith.constant 1.000000e+00 : f32
      %jit3A_164 = arith.constant 0.000000e+00 : f32
      %broadcast_in_dim3A_165 = vector.broadcast %jit3A_163 : f32 to vector<16xf32>
      %broadcast_in_dim3A_166 = vector.broadcast %jit3A_164 : f32 to vector<16xf32>
      %select_n3A_167 = arith.select %ge3A_162, %broadcast_in_dim3A_165, %broadcast_in_dim3A_166 : vector<16xi1>, vector<16xf32>
      %add3A_168 = arith.addf %scan3A_130, %select_n3A_167 : vector<16xf32>
      %mul3A_169 = arith.constant 8 : i32
      %mul3A_170 = arith.muli %scan3A_128, %mul3A_169 : i32
      %add3A_171 = arith.constant 2 : i32
      %add3A_172 = arith.addi %mul3A_170, %add3A_171 : i32
      %mul3A_173 = arith.constant 16 : i32
      %mul3A_174 = arith.muli %add3A_172, %mul3A_173 : i32
      %add3A_175 = arith.constant 16384 : i32
      %add3A_176 = arith.addi %add3A_175, %mul3A_174 : i32
      %get3A_177 = arith.index_cast %add3A_176 : i32 to index
      %get3A_178 = tpu.vector_load %arg4[%get3A_177] {strides = array<i32>} : memref<32832xf32, #tpu.memory_space<vmem>>, vector<16xf32>,
      %get3A_179 = vector.shape_cast %get3A_178 : vector<16xf32> to vector<16xf32>
      %mul3A_180 = arith.constant 8 : i32
      %mul3A_181 = arith.muli %scan3A_128, %mul3A_180 : i32
      %add3A_182 = arith.constant 2 : i32
      %add3A_183 = arith.addi %mul3A_181, %add3A_182 : i32
      %add3A_184 = arith.constant 1 : i32
      %add3A_185 = arith.addi %add3A_183, %add3A_184 : i32
      %mul3A_186 = arith.constant 16 : i32
      %mul3A_187 = arith.muli %add3A_185, %mul3A_186 : i32
      %add3A_188 = arith.constant 16384 : i32
      %add3A_189 = arith.addi %add3A_188, %mul3A_187 : i32
      %get3A_190 = arith.index_cast %add3A_189 : i32 to index
      %get3A_191 = tpu.vector_load %arg4[%get3A_190] {strides = array<i32>} : memref<32832xf32, #tpu.memory_space<vmem>>, vector<16xf32>,
      %get3A_192 = vector.shape_cast %get3A_191 : vector<16xf32> to vector<16xf32>
      %ge3A_193 = arith.constant 8.000000e-01 : f32
      %ge3A_194 = vector.broadcast %ge3A_193 : f32 to vector<16xf32>
      %ge3A_195 = arith.cmpf oge, %get3A_179, %ge3A_194 : vector<16xf32>
      %jit3A_196 = arith.constant 1.000000e+00 : f32
      %jit3A_197 = arith.constant 0.000000e+00 : f32
      %broadcast_in_dim3A_198 = vector.broadcast %jit3A_196 : f32 to vector<16xf32>
      %broadcast_in_dim3A_199 = vector.broadcast %jit3A_197 : f32 to vector<16xf32>
      %select_n3A_200 = arith.select %ge3A_195, %broadcast_in_dim3A_198, %broadcast_in_dim3A_199 : vector<16xi1>, vector<16xf32>
      %add3A_201 = arith.addf %add3A_159, %select_n3A_200 : vector<16xf32>
      %ge3A_202 = arith.constant 8.000000e-01 : f32
      %ge3A_203 = vector.broadcast %ge3A_202 : f32 to vector<16xf32>
      %ge3A_204 = arith.cmpf oge, %get3A_192, %ge3A_203 : vector<16xf32>
      %jit3A_205 = arith.constant 1.000000e+00 : f32
      %jit3A_206 = arith.constant 0.000000e+00 : f32
      %broadcast_in_dim3A_207 = vector.broadcast %jit3A_205 : f32 to vector<16xf32>
      %broadcast_in_dim3A_208 = vector.broadcast %jit3A_206 : f32 to vector<16xf32>
      %select_n3A_209 = arith.select %ge3A_204, %broadcast_in_dim3A_207, %broadcast_in_dim3A_208 : vector<16xi1>, vector<16xf32>
      %add3A_210 = arith.addf %add3A_168, %select_n3A_209 : vector<16xf32>
      %mul3A_211 = arith.constant 8 : i32
      %mul3A_212 = arith.muli %scan3A_128, %mul3A_211 : i32
      %add3A_213 = arith.constant 4 : i32
      %add3A_214 = arith.addi %mul3A_212, %add3A_213 : i32
      %mul3A_215 = arith.constant 16 : i32
      %mul3A_216 = arith.muli %add3A_214, %mul3A_215 : i32
      %add3A_217 = arith.constant 16384 : i32
      %add3A_218 = arith.addi %add3A_217, %mul3A_216 : i32
      %get3A_219 = arith.index_cast %add3A_218 : i32 to index
      %get3A_220 = tpu.vector_load %arg4[%get3A_219] {strides = array<i32>} : memref<32832xf32, #tpu.memory_space<vmem>>, vector<16xf32>,
      %get3A_221 = vector.shape_cast %get3A_220 : vector<16xf32> to vector<16xf32>
      %mul3A_222 = arith.constant 8 : i32
      %mul3A_223 = arith.muli %scan3A_128, %mul3A_222 : i32
      %add3A_224 = arith.constant 4 : i32
      %add3A_225 = arith.addi %mul3A_223, %add3A_224 : i32
      %add3A_226 = arith.constant 1 : i32
      %add3A_227 = arith.addi %add3A_225, %add3A_226 : i32
      %mul3A_228 = arith.constant 16 : i32
      %mul3A_229 = arith.muli %add3A_227, %mul3A_228 : i32
      %add3A_230 = arith.constant 16384 : i32
      %add3A_231 = arith.addi %add3A_230, %mul3A_229 : i32
      %get3A_232 = arith.index_cast %add3A_231 : i32 to index
      %get3A_233 = tpu.vector_load %arg4[%get3A_232] {strides = array<i32>} : memref<32832xf32, #tpu.memory_space<vmem>>, vector<16xf32>,
      %get3A_234 = vector.shape_cast %get3A_233 : vector<16xf32> to vector<16xf32>
      %ge3A_235 = arith.constant 8.000000e-01 : f32
      %ge3A_236 = vector.broadcast %ge3A_235 : f32 to vector<16xf32>
      %ge3A_237 = arith.cmpf oge, %get3A_221, %ge3A_236 : vector<16xf32>
      %jit3A_238 = arith.constant 1.000000e+00 : f32
      %jit3A_239 = arith.constant 0.000000e+00 : f32
      %broadcast_in_dim3A_240 = vector.broadcast %jit3A_238 : f32 to vector<16xf32>
      %broadcast_in_dim3A_241 = vector.broadcast %jit3A_239 : f32 to vector<16xf32>
      %select_n3A_242 = arith.select %ge3A_237, %broadcast_in_dim3A_240, %broadcast_in_dim3A_241 : vector<16xi1>, vector<16xf32>
      %add3A_243 = arith.addf %add3A_201, %select_n3A_242 : vector<16xf32>
      %ge3A_244 = arith.constant 8.000000e-01 : f32
      %ge3A_245 = vector.broadcast %ge3A_244 : f32 to vector<16xf32>
      %ge3A_246 = arith.cmpf oge, %get3A_234, %ge3A_245 : vector<16xf32>
      %jit3A_247 = arith.constant 1.000000e+00 : f32
      %jit3A_248 = arith.constant 0.000000e+00 : f32
      %broadcast_in_dim3A_249 = vector.broadcast %jit3A_247 : f32 to vector<16xf32>
      %broadcast_in_dim3A_250 = vector.broadcast %jit3A_248 : f32 to vector<16xf32>
      %select_n3A_251 = arith.select %ge3A_246, %broadcast_in_dim3A_249, %broadcast_in_dim3A_250 : vector<16xi1>, vector<16xf32>
      %add3A_252 = arith.addf %add3A_210, %select_n3A_251 : vector<16xf32>
      %mul3A_253 = arith.constant 8 : i32
      %mul3A_254 = arith.muli %scan3A_128, %mul3A_253 : i32
      %add3A_255 = arith.constant 6 : i32
      %add3A_256 = arith.addi %mul3A_254, %add3A_255 : i32
      %mul3A_257 = arith.constant 16 : i32
      %mul3A_258 = arith.muli %add3A_256, %mul3A_257 : i32
      %add3A_259 = arith.constant 16384 : i32
      %add3A_260 = arith.addi %add3A_259, %mul3A_258 : i32
      %get3A_261 = arith.index_cast %add3A_260 : i32 to index
      %get3A_262 = tpu.vector_load %arg4[%get3A_261] {strides = array<i32>} : memref<32832xf32, #tpu.memory_space<vmem>>, vector<16xf32>,
      %get3A_263 = vector.shape_cast %get3A_262 : vector<16xf32> to vector<16xf32>
      %mul3A_264 = arith.constant 8 : i32
      %mul3A_265 = arith.muli %scan3A_128, %mul3A_264 : i32
      %add3A_266 = arith.constant 6 : i32
      %add3A_267 = arith.addi %mul3A_265, %add3A_266 : i32
      %add3A_268 = arith.constant 1 : i32
      %add3A_269 = arith.addi %add3A_267, %add3A_268 : i32
      %mul3A_270 = arith.constant 16 : i32
      %mul3A_271 = arith.muli %add3A_269, %mul3A_270 : i32
      %add3A_272 = arith.constant 16384 : i32
      %add3A_273 = arith.addi %add3A_272, %mul3A_271 : i32
      %get3A_274 = arith.index_cast %add3A_273 : i32 to index
      %get3A_275 = tpu.vector_load %arg4[%get3A_274] {strides = array<i32>} : memref<32832xf32, #tpu.memory_space<vmem>>, vector<16xf32>,
      %get3A_276 = vector.shape_cast %get3A_275 : vector<16xf32> to vector<16xf32>
      %ge3A_277 = arith.constant 8.000000e-01 : f32
      %ge3A_278 = vector.broadcast %ge3A_277 : f32 to vector<16xf32>
      %ge3A_279 = arith.cmpf oge, %get3A_263, %ge3A_278 : vector<16xf32>
      %jit3A_280 = arith.constant 1.000000e+00 : f32
      %jit3A_281 = arith.constant 0.000000e+00 : f32
      %broadcast_in_dim3A_282 = vector.broadcast %jit3A_280 : f32 to vector<16xf32>
      %broadcast_in_dim3A_283 = vector.broadcast %jit3A_281 : f32 to vector<16xf32>
      %select_n3A_284 = arith.select %ge3A_279, %broadcast_in_dim3A_282, %broadcast_in_dim3A_283 : vector<16xi1>, vector<16xf32>
      %add3A_285 = arith.addf %add3A_243, %select_n3A_284 : vector<16xf32>
      %ge3A_286 = arith.constant 8.000000e-01 : f32
      %ge3A_287 = vector.broadcast %ge3A_286 : f32 to vector<16xf32>
      %ge3A_288 = arith.cmpf oge, %get3A_276, %ge3A_287 : vector<16xf32>
      %jit3A_289 = arith.constant 1.000000e+00 : f32
      %jit3A_290 = arith.constant 0.000000e+00 : f32
      %broadcast_in_dim3A_291 = vector.broadcast %jit3A_289 : f32 to vector<16xf32>
      %broadcast_in_dim3A_292 = vector.broadcast %jit3A_290 : f32 to vector<16xf32>
      %select_n3A_293 = arith.select %ge3A_288, %broadcast_in_dim3A_291, %broadcast_in_dim3A_292 : vector<16xi1>, vector<16xf32>
      %add3A_294 = arith.addf %add3A_252, %select_n3A_293 : vector<16xf32>
      scf.yield %add3A_285, %add3A_294 : vector<16xf32>, vector<16xf32>
    }
    %scan3A_118 = arith.constant 128 : i32
    %add3A_119 = arith.addf %scan3A_117#0, %scan3A_117#1 : vector<16xf32>
    %swap3A_120 = arith.constant 32816 : index
    %swap3A_121 = tpu.vector_load %arg4[%swap3A_120] {strides = array<i32>} : memref<32832xf32, #tpu.memory_space<vmem>>, vector<16xf32>,
    %swap3A_122 = vector.shape_cast %swap3A_121 : vector<16xf32> to vector<16xf32>
    %swap3A_123 = vector.shape_cast %add3A_119 : vector<16xf32> to vector<16xf32>
    tpu.vector_store %arg4[%swap3A_120], %swap3A_123 {strides = array<i32>} : memref<32832xf32, #tpu.memory_space<vmem>>, vector<16xf32>,
    %mul3A_124 = arith.constant 4 : i32
    %mul3A_125 = arith.muli %add3A, %mul3A_124 : i32
    %mul3A_126 = arith.constant 16 : i32
    %mul3A_127 = arith.muli %mul3A_125, %mul3A_126 : i32
    "tpu.region"() ({
      %run_scoped3A = tpu.sem_alloc : memref<!tpu.dma_semaphore, #tpu.memory_space<semaphore_mem>>
      %dma_start3A_128 = arith.constant 32768 : i32
      %dma_start3A_129 = tpu.memref_slice %arg4[%dma_start3A_128] : memref<32832xf32, #tpu.memory_space<vmem>> -> memref<64xf32, #tpu.memory_space<vmem>>
      %dma_start3A_130 = tpu.memref_slice %arg3[%mul3A_127] : memref<1024xf32, #tpu.memory_space<hbm>> -> memref<64xf32, #tpu.memory_space<hbm>>
      %dma_start3A_131 = tpu.memref_slice %arg3[%mul3A_127] : memref<1024xf32, #tpu.memory_space<hbm>> -> memref<64xf32, #tpu.memory_space<hbm>>
      %dma_start3A_132 = arith.constant 32768 : i32
      %dma_start3A_133 = tpu.memref_slice %arg4[%dma_start3A_132] : memref<32832xf32, #tpu.memory_space<vmem>> -> memref<64xf32, #tpu.memory_space<vmem>>
      tpu.enqueue_dma source(%dma_start3A_133 : memref<64xf32, #tpu.memory_space<vmem>>) target(%dma_start3A_131 : memref<64xf32, #tpu.memory_space<hbm>>) target_semaphore(%run_scoped3A : memref<!tpu.dma_semaphore, #tpu.memory_space<semaphore_mem>>)
      %dma_wait3A_134 = arith.constant 32768 : i32
      %dma_wait3A_135 = tpu.memref_slice %arg4[%dma_wait3A_134] : memref<32832xf32, #tpu.memory_space<vmem>> -> memref<64xf32, #tpu.memory_space<vmem>>
      %dma_wait3A_136 = tpu.memref_slice %arg3[%mul3A_127] : memref<1024xf32, #tpu.memory_space<hbm>> -> memref<64xf32, #tpu.memory_space<hbm>>
      %dma_wait3A_137 = tpu.memref_slice %arg3[%mul3A_127] : memref<1024xf32, #tpu.memory_space<hbm>> -> memref<64xf32, #tpu.memory_space<hbm>>
      %dma_wait3A_138 = arith.constant 32768 : i32
      %dma_wait3A_139 = tpu.memref_slice %arg4[%dma_wait3A_138] : memref<32832xf32, #tpu.memory_space<vmem>> -> memref<64xf32, #tpu.memory_space<vmem>>
      tpu.wait_dma2 semaphore(%run_scoped3A : memref<!tpu.dma_semaphore, #tpu.memory_space<semaphore_mem>>) src(%dma_wait3A_139 : memref<64xf32, #tpu.memory_space<vmem>>) dst(%dma_wait3A_137 : memref<64xf32, #tpu.memory_space<hbm>>)
      tpu.yield
    }) : () -> ()
    return
  }
}

module attributes {stable_mosaic.version = 14 : i64} {
  func.func @_tc_kernel(%arg0: i32, %arg1: memref<1x512x512xf32, #tpu.memory_space<vmem>>, %arg2: memref<1x512x512xf32, #tpu.memory_space<vmem>>, %arg3: memref<4xf32, #tpu.memory_space<smem>>) attributes {dimension_semantics = [#tpu.dimension_semantics<arbitrary>], iteration_bounds = array<i64: 4>, scalar_prefetch = 0 : i64, scratch_operands = 0 : i64, tpu.core_type = #tpu.core_type<tc>, window_params = [{transform_indices = @transform_0, window_bounds = array<i64: 1, 512, 512>}, {transform_indices = @transform_1, window_bounds = array<i64: 1, 512, 512>}, {transform_indices = @transform_2, window_bounds = array<i64: 4>}]} {
    %get3A = arith.constant 0 : index
    %get3A_0 = arith.constant 0 : index
    %get3A_1 = arith.constant 0 : index
    %get3A_2 = vector.load %arg1[%get3A, %get3A_0, %get3A_1] : memref<1x512x512xf32, #tpu.memory_space<vmem>>, vector<1x512x512xf32>
    %get3A_3 = vector.shape_cast %get3A_2 : vector<1x512x512xf32> to vector<512x512xf32>
    %get3A_4 = arith.constant 0 : index
    %get3A_5 = arith.constant 0 : index
    %get3A_6 = arith.constant 0 : index
    %get3A_7 = vector.load %arg2[%get3A_4, %get3A_5, %get3A_6] : memref<1x512x512xf32, #tpu.memory_space<vmem>>, vector<1x512x512xf32>
    %get3A_8 = vector.shape_cast %get3A_7 : vector<1x512x512xf32> to vector<512x512xf32>
    %iota3A = tpu.iota {dimensions = array<i32: 0>} : vector<512x512xi32>
    %iota3A_9 = tpu.iota {dimensions = array<i32: 1>} : vector<512x512xi32>
    %eq3A = arith.constant 511 : i32
    %eq3A_10 = vector.broadcast %eq3A : i32 to vector<512x512xi32>
    %eq3A_11 = arith.cmpi eq, %iota3A, %eq3A_10 : vector<512x512xi32>
    %ge3A = arith.constant 1 : i32
    %ge3A_12 = vector.broadcast %ge3A : i32 to vector<512x512xi32>
    %ge3A_13 = arith.cmpi sge, %iota3A_9, %ge3A_12 : vector<512x512xi32>
    %and3A = arith.andi %eq3A_11, %ge3A_13 : vector<512x512xi1>
    %eq3A_14 = arith.constant 511 : i32
    %eq3A_15 = vector.broadcast %eq3A_14 : i32 to vector<512x512xi32>
    %eq3A_16 = arith.cmpi eq, %iota3A_9, %eq3A_15 : vector<512x512xi32>
    %ge3A_17 = arith.constant 1 : i32
    %ge3A_18 = vector.broadcast %ge3A_17 : i32 to vector<512x512xi32>
    %ge3A_19 = arith.cmpi sge, %iota3A, %ge3A_18 : vector<512x512xi32>
    %and3A_20 = arith.andi %eq3A_16, %ge3A_19 : vector<512x512xi1>
    %or3A = arith.ori %and3A, %and3A_20 : vector<512x512xi1>
    %jit3A = arith.constant 0.000000e+00 : f32
    %jit3A_21 = arith.constant 1.000000e+00 : f32
    %broadcast_in_dim3A = vector.broadcast %jit3A : f32 to vector<512x512xf32>
    %broadcast_in_dim3A_22 = vector.broadcast %jit3A_21 : f32 to vector<512x512xf32>
    %select_n3A = arith.select %or3A, %broadcast_in_dim3A, %broadcast_in_dim3A_22 : vector<512x512xi1>, vector<512x512xf32>
    %slice3A = vector.extract_strided_slice %get3A_8 {offsets = [0, 1], sizes = [512, 511], strides = [1, 1]} : vector<512x512xf32> to vector<512x511xf32>
    %slice3A_23 = vector.extract_strided_slice %get3A_8 {offsets = [0, 0], sizes = [512, 1], strides = [1, 1]} : vector<512x512xf32> to vector<512x1xf32>
    %concatenate3A = tpu.concatenate %slice3A, %slice3A_23 in 1 : vector<512x511xf32>, vector<512x1xf32> -> vector<512x512xf32>
    %iota3A_24 = tpu.iota {dimensions = array<i32: 1>} : vector<512x512xi32>
    %lt3A = arith.constant 511 : i32
    %lt3A_25 = vector.broadcast %lt3A : i32 to vector<512x512xi32>
    %lt3A_26 = arith.cmpi slt, %iota3A_24, %lt3A_25 : vector<512x512xi32>
    %jit3A_27 = arith.constant 0.000000e+00 : f32
    %broadcast_in_dim3A_28 = vector.broadcast %jit3A_27 : f32 to vector<512x512xf32>
    %select_n3A_29 = arith.select %lt3A_26, %concatenate3A, %broadcast_in_dim3A_28 : vector<512x512xi1>, vector<512x512xf32>
    %add3A = arith.addf %get3A_8, %select_n3A_29 : vector<512x512xf32>
    %slice3A_30 = vector.extract_strided_slice %get3A_8 {offsets = [0, 511], sizes = [512, 1], strides = [1, 1]} : vector<512x512xf32> to vector<512x1xf32>
    %slice3A_31 = vector.extract_strided_slice %get3A_8 {offsets = [0, 0], sizes = [512, 511], strides = [1, 1]} : vector<512x512xf32> to vector<512x511xf32>
    %concatenate3A_32 = tpu.concatenate %slice3A_30, %slice3A_31 in 1 : vector<512x1xf32>, vector<512x511xf32> -> vector<512x512xf32>
    %iota3A_33 = tpu.iota {dimensions = array<i32: 1>} : vector<512x512xi32>
    %ge3A_34 = arith.constant 1 : i32
    %ge3A_35 = vector.broadcast %ge3A_34 : i32 to vector<512x512xi32>
    %ge3A_36 = arith.cmpi sge, %iota3A_33, %ge3A_35 : vector<512x512xi32>
    %jit3A_37 = arith.constant 0.000000e+00 : f32
    %broadcast_in_dim3A_38 = vector.broadcast %jit3A_37 : f32 to vector<512x512xf32>
    %select_n3A_39 = arith.select %ge3A_36, %concatenate3A_32, %broadcast_in_dim3A_38 : vector<512x512xi1>, vector<512x512xf32>
    %add3A_40 = arith.addf %add3A, %select_n3A_39 : vector<512x512xf32>
    %slice3A_41 = vector.extract_strided_slice %add3A_40 {offsets = [1, 0], sizes = [511, 512], strides = [1, 1]} : vector<512x512xf32> to vector<511x512xf32>
    %slice3A_42 = vector.extract_strided_slice %add3A_40 {offsets = [0, 0], sizes = [1, 512], strides = [1, 1]} : vector<512x512xf32> to vector<1x512xf32>
    %concatenate3A_43 = tpu.concatenate %slice3A_41, %slice3A_42 in 0 : vector<511x512xf32>, vector<1x512xf32> -> vector<512x512xf32>
    %iota3A_44 = tpu.iota {dimensions = array<i32: 0>} : vector<512x512xi32>
    %lt3A_45 = arith.constant 511 : i32
    %lt3A_46 = vector.broadcast %lt3A_45 : i32 to vector<512x512xi32>
    %lt3A_47 = arith.cmpi slt, %iota3A_44, %lt3A_46 : vector<512x512xi32>
    %jit3A_48 = arith.constant 0.000000e+00 : f32
    %broadcast_in_dim3A_49 = vector.broadcast %jit3A_48 : f32 to vector<512x512xf32>
    %select_n3A_50 = arith.select %lt3A_47, %concatenate3A_43, %broadcast_in_dim3A_49 : vector<512x512xi1>, vector<512x512xf32>
    %add3A_51 = arith.addf %add3A_40, %select_n3A_50 : vector<512x512xf32>
    %slice3A_52 = vector.extract_strided_slice %add3A_40 {offsets = [511, 0], sizes = [1, 512], strides = [1, 1]} : vector<512x512xf32> to vector<1x512xf32>
    %slice3A_53 = vector.extract_strided_slice %add3A_40 {offsets = [0, 0], sizes = [511, 512], strides = [1, 1]} : vector<512x512xf32> to vector<511x512xf32>
    %concatenate3A_54 = tpu.concatenate %slice3A_52, %slice3A_53 in 0 : vector<1x512xf32>, vector<511x512xf32> -> vector<512x512xf32>
    %iota3A_55 = tpu.iota {dimensions = array<i32: 0>} : vector<512x512xi32>
    %ge3A_56 = arith.constant 1 : i32
    %ge3A_57 = vector.broadcast %ge3A_56 : i32 to vector<512x512xi32>
    %ge3A_58 = arith.cmpi sge, %iota3A_55, %ge3A_57 : vector<512x512xi32>
    %jit3A_59 = arith.constant 0.000000e+00 : f32
    %broadcast_in_dim3A_60 = vector.broadcast %jit3A_59 : f32 to vector<512x512xf32>
    %select_n3A_61 = arith.select %ge3A_58, %concatenate3A_54, %broadcast_in_dim3A_60 : vector<512x512xi1>, vector<512x512xf32>
    %add3A_62 = arith.addf %add3A_51, %select_n3A_61 : vector<512x512xf32>
    %sub3A = arith.subf %add3A_62, %get3A_8 : vector<512x512xf32>
    %mul3A = arith.mulf %sub3A, %select_n3A : vector<512x512xf32>
    %ne3A = arith.constant 0.000000e+00 : f32
    %ne3A_63 = vector.broadcast %ne3A : f32 to vector<512x512xf32>
    %ne3A_64 = arith.cmpf one, %get3A_8, %ne3A_63 : vector<512x512xf32>
    %jit3A_65 = arith.constant 0.000000e+00 : f32
    %broadcast_in_dim3A_66 = vector.broadcast %jit3A_65 : f32 to vector<512x512xf32>
    %select_n3A_67 = arith.select %ne3A_64, %mul3A, %broadcast_in_dim3A_66 : vector<512x512xi1>, vector<512x512xf32>
    %sub3A_68 = arith.subf %get3A_8, %get3A_3 : vector<512x512xf32>
    %abs3A = math.absf %sub3A_68 : vector<512x512xf32>
    %mul3A_69 = arith.mulf %select_n3A_67, %abs3A : vector<512x512xf32>
    %slice3A_70 = vector.extract_strided_slice %select_n3A_67 {offsets = [0, 1], sizes = [512, 511], strides = [1, 1]} : vector<512x512xf32> to vector<512x511xf32>
    %slice3A_71 = vector.extract_strided_slice %select_n3A_67 {offsets = [0, 0], sizes = [512, 1], strides = [1, 1]} : vector<512x512xf32> to vector<512x1xf32>
    %concatenate3A_72 = tpu.concatenate %slice3A_70, %slice3A_71 in 1 : vector<512x511xf32>, vector<512x1xf32> -> vector<512x512xf32>
    %iota3A_73 = tpu.iota {dimensions = array<i32: 1>} : vector<512x512xi32>
    %lt3A_74 = arith.constant 511 : i32
    %lt3A_75 = vector.broadcast %lt3A_74 : i32 to vector<512x512xi32>
    %lt3A_76 = arith.cmpi slt, %iota3A_73, %lt3A_75 : vector<512x512xi32>
    %jit3A_77 = arith.constant 0.000000e+00 : f32
    %broadcast_in_dim3A_78 = vector.broadcast %jit3A_77 : f32 to vector<512x512xf32>
    %select_n3A_79 = arith.select %lt3A_76, %concatenate3A_72, %broadcast_in_dim3A_78 : vector<512x512xi1>, vector<512x512xf32>
    %add3A_80 = arith.addf %select_n3A_67, %select_n3A_79 : vector<512x512xf32>
    %slice3A_81 = vector.extract_strided_slice %select_n3A_67 {offsets = [0, 511], sizes = [512, 1], strides = [1, 1]} : vector<512x512xf32> to vector<512x1xf32>
    %slice3A_82 = vector.extract_strided_slice %select_n3A_67 {offsets = [0, 0], sizes = [512, 511], strides = [1, 1]} : vector<512x512xf32> to vector<512x511xf32>
    %concatenate3A_83 = tpu.concatenate %slice3A_81, %slice3A_82 in 1 : vector<512x1xf32>, vector<512x511xf32> -> vector<512x512xf32>
    %iota3A_84 = tpu.iota {dimensions = array<i32: 1>} : vector<512x512xi32>
    %ge3A_85 = arith.constant 1 : i32
    %ge3A_86 = vector.broadcast %ge3A_85 : i32 to vector<512x512xi32>
    %ge3A_87 = arith.cmpi sge, %iota3A_84, %ge3A_86 : vector<512x512xi32>
    %jit3A_88 = arith.constant 0.000000e+00 : f32
    %broadcast_in_dim3A_89 = vector.broadcast %jit3A_88 : f32 to vector<512x512xf32>
    %select_n3A_90 = arith.select %ge3A_87, %concatenate3A_83, %broadcast_in_dim3A_89 : vector<512x512xi1>, vector<512x512xf32>
    %add3A_91 = arith.addf %add3A_80, %select_n3A_90 : vector<512x512xf32>
    %slice3A_92 = vector.extract_strided_slice %add3A_91 {offsets = [1, 0], sizes = [511, 512], strides = [1, 1]} : vector<512x512xf32> to vector<511x512xf32>
    %slice3A_93 = vector.extract_strided_slice %add3A_91 {offsets = [0, 0], sizes = [1, 512], strides = [1, 1]} : vector<512x512xf32> to vector<1x512xf32>
    %concatenate3A_94 = tpu.concatenate %slice3A_92, %slice3A_93 in 0 : vector<511x512xf32>, vector<1x512xf32> -> vector<512x512xf32>
    %iota3A_95 = tpu.iota {dimensions = array<i32: 0>} : vector<512x512xi32>
    %lt3A_96 = arith.constant 511 : i32
    %lt3A_97 = vector.broadcast %lt3A_96 : i32 to vector<512x512xi32>
    %lt3A_98 = arith.cmpi slt, %iota3A_95, %lt3A_97 : vector<512x512xi32>
    %jit3A_99 = arith.constant 0.000000e+00 : f32
    %broadcast_in_dim3A_100 = vector.broadcast %jit3A_99 : f32 to vector<512x512xf32>
    %select_n3A_101 = arith.select %lt3A_98, %concatenate3A_94, %broadcast_in_dim3A_100 : vector<512x512xi1>, vector<512x512xf32>
    %add3A_102 = arith.addf %add3A_91, %select_n3A_101 : vector<512x512xf32>
    %slice3A_103 = vector.extract_strided_slice %add3A_91 {offsets = [511, 0], sizes = [1, 512], strides = [1, 1]} : vector<512x512xf32> to vector<1x512xf32>
    %slice3A_104 = vector.extract_strided_slice %add3A_91 {offsets = [0, 0], sizes = [511, 512], strides = [1, 1]} : vector<512x512xf32> to vector<511x512xf32>
    %concatenate3A_105 = tpu.concatenate %slice3A_103, %slice3A_104 in 0 : vector<1x512xf32>, vector<511x512xf32> -> vector<512x512xf32>
    %iota3A_106 = tpu.iota {dimensions = array<i32: 0>} : vector<512x512xi32>
    %ge3A_107 = arith.constant 1 : i32
    %ge3A_108 = vector.broadcast %ge3A_107 : i32 to vector<512x512xi32>
    %ge3A_109 = arith.cmpi sge, %iota3A_106, %ge3A_108 : vector<512x512xi32>
    %jit3A_110 = arith.constant 0.000000e+00 : f32
    %broadcast_in_dim3A_111 = vector.broadcast %jit3A_110 : f32 to vector<512x512xf32>
    %select_n3A_112 = arith.select %ge3A_109, %concatenate3A_105, %broadcast_in_dim3A_111 : vector<512x512xi1>, vector<512x512xf32>
    %add3A_113 = arith.addf %add3A_102, %select_n3A_112 : vector<512x512xf32>
    %sub3A_114 = arith.subf %add3A_113, %select_n3A_67 : vector<512x512xf32>
    %slice3A_115 = vector.extract_strided_slice %mul3A_69 {offsets = [0, 1], sizes = [512, 511], strides = [1, 1]} : vector<512x512xf32> to vector<512x511xf32>
    %slice3A_116 = vector.extract_strided_slice %mul3A_69 {offsets = [0, 0], sizes = [512, 1], strides = [1, 1]} : vector<512x512xf32> to vector<512x1xf32>
    %concatenate3A_117 = tpu.concatenate %slice3A_115, %slice3A_116 in 1 : vector<512x511xf32>, vector<512x1xf32> -> vector<512x512xf32>
    %iota3A_118 = tpu.iota {dimensions = array<i32: 1>} : vector<512x512xi32>
    %lt3A_119 = arith.constant 511 : i32
    %lt3A_120 = vector.broadcast %lt3A_119 : i32 to vector<512x512xi32>
    %lt3A_121 = arith.cmpi slt, %iota3A_118, %lt3A_120 : vector<512x512xi32>
    %jit3A_122 = arith.constant 0.000000e+00 : f32
    %broadcast_in_dim3A_123 = vector.broadcast %jit3A_122 : f32 to vector<512x512xf32>
    %select_n3A_124 = arith.select %lt3A_121, %concatenate3A_117, %broadcast_in_dim3A_123 : vector<512x512xi1>, vector<512x512xf32>
    %add3A_125 = arith.addf %mul3A_69, %select_n3A_124 : vector<512x512xf32>
    %slice3A_126 = vector.extract_strided_slice %mul3A_69 {offsets = [0, 511], sizes = [512, 1], strides = [1, 1]} : vector<512x512xf32> to vector<512x1xf32>
    %slice3A_127 = vector.extract_strided_slice %mul3A_69 {offsets = [0, 0], sizes = [512, 511], strides = [1, 1]} : vector<512x512xf32> to vector<512x511xf32>
    %concatenate3A_128 = tpu.concatenate %slice3A_126, %slice3A_127 in 1 : vector<512x1xf32>, vector<512x511xf32> -> vector<512x512xf32>
    %iota3A_129 = tpu.iota {dimensions = array<i32: 1>} : vector<512x512xi32>
    %ge3A_130 = arith.constant 1 : i32
    %ge3A_131 = vector.broadcast %ge3A_130 : i32 to vector<512x512xi32>
    %ge3A_132 = arith.cmpi sge, %iota3A_129, %ge3A_131 : vector<512x512xi32>
    %jit3A_133 = arith.constant 0.000000e+00 : f32
    %broadcast_in_dim3A_134 = vector.broadcast %jit3A_133 : f32 to vector<512x512xf32>
    %select_n3A_135 = arith.select %ge3A_132, %concatenate3A_128, %broadcast_in_dim3A_134 : vector<512x512xi1>, vector<512x512xf32>
    %add3A_136 = arith.addf %add3A_125, %select_n3A_135 : vector<512x512xf32>
    %slice3A_137 = vector.extract_strided_slice %add3A_136 {offsets = [1, 0], sizes = [511, 512], strides = [1, 1]} : vector<512x512xf32> to vector<511x512xf32>
    %slice3A_138 = vector.extract_strided_slice %add3A_136 {offsets = [0, 0], sizes = [1, 512], strides = [1, 1]} : vector<512x512xf32> to vector<1x512xf32>
    %concatenate3A_139 = tpu.concatenate %slice3A_137, %slice3A_138 in 0 : vector<511x512xf32>, vector<1x512xf32> -> vector<512x512xf32>
    %iota3A_140 = tpu.iota {dimensions = array<i32: 0>} : vector<512x512xi32>
    %lt3A_141 = arith.constant 511 : i32
    %lt3A_142 = vector.broadcast %lt3A_141 : i32 to vector<512x512xi32>
    %lt3A_143 = arith.cmpi slt, %iota3A_140, %lt3A_142 : vector<512x512xi32>
    %jit3A_144 = arith.constant 0.000000e+00 : f32
    %broadcast_in_dim3A_145 = vector.broadcast %jit3A_144 : f32 to vector<512x512xf32>
    %select_n3A_146 = arith.select %lt3A_143, %concatenate3A_139, %broadcast_in_dim3A_145 : vector<512x512xi1>, vector<512x512xf32>
    %add3A_147 = arith.addf %add3A_136, %select_n3A_146 : vector<512x512xf32>
    %slice3A_148 = vector.extract_strided_slice %add3A_136 {offsets = [511, 0], sizes = [1, 512], strides = [1, 1]} : vector<512x512xf32> to vector<1x512xf32>
    %slice3A_149 = vector.extract_strided_slice %add3A_136 {offsets = [0, 0], sizes = [511, 512], strides = [1, 1]} : vector<512x512xf32> to vector<511x512xf32>
    %concatenate3A_150 = tpu.concatenate %slice3A_148, %slice3A_149 in 0 : vector<1x512xf32>, vector<511x512xf32> -> vector<512x512xf32>
    %iota3A_151 = tpu.iota {dimensions = array<i32: 0>} : vector<512x512xi32>
    %ge3A_152 = arith.constant 1 : i32
    %ge3A_153 = vector.broadcast %ge3A_152 : i32 to vector<512x512xi32>
    %ge3A_154 = arith.cmpi sge, %iota3A_151, %ge3A_153 : vector<512x512xi32>
    %jit3A_155 = arith.constant 0.000000e+00 : f32
    %broadcast_in_dim3A_156 = vector.broadcast %jit3A_155 : f32 to vector<512x512xf32>
    %select_n3A_157 = arith.select %ge3A_154, %concatenate3A_150, %broadcast_in_dim3A_156 : vector<512x512xi1>, vector<512x512xf32>
    %add3A_158 = arith.addf %add3A_147, %select_n3A_157 : vector<512x512xf32>
    %sub3A_159 = arith.subf %add3A_158, %mul3A_69 : vector<512x512xf32>
    %add3A_160 = arith.constant 1.000000e+00 : f32
    %add3A_161 = vector.broadcast %add3A_160 : f32 to vector<512x512xf32>
    %add3A_162 = arith.addf %sub3A_114, %add3A_161 : vector<512x512xf32>
    %div3A = arith.divf %sub3A_159, %add3A_162 : vector<512x512xf32>
    %mul3A_163 = arith.mulf %div3A, %select_n3A : vector<512x512xf32>
    %ge3A_164 = arith.constant 8.000000e-01 : f32
    %ge3A_165 = vector.broadcast %ge3A_164 : f32 to vector<512x512xf32>
    %ge3A_166 = arith.cmpf oge, %get3A_3, %ge3A_165 : vector<512x512xf32>
    %jit3A_167 = arith.constant 0.000000e+00 : f32
    %broadcast_in_dim3A_168 = vector.broadcast %jit3A_167 : f32 to vector<512x512xf32>
    %select_n3A_169 = arith.select %ge3A_166, %mul3A_163, %broadcast_in_dim3A_168 : vector<512x512xi1>, vector<512x512xf32>
    %reduce_sum3A = vector.shape_cast %select_n3A_169 : vector<512x512xf32> to vector<1x512x512xf32>
    %reduce_sum3A_170 = arith.constant dense<0.000000e+00> : vector<1xf32>
    %reduce_sum3A_171 = vector.multi_reduction <add>, %reduce_sum3A, %reduce_sum3A_170 [1, 2] : vector<1x512x512xf32> to vector<1xf32>
    %reduce_sum3A_172 = vector.shape_cast %reduce_sum3A_171 : vector<1xf32> to vector<1x1x1xf32>
    %reduce_sum3A_173 = vector.extract %reduce_sum3A_172[0, 0, 0] : f32 from vector<1x1x1xf32>
    %swap3A = arith.index_cast %arg0 : i32 to index
    %swap3A_174 = memref.load %arg3[%swap3A] : memref<4xf32, #tpu.memory_space<smem>>
    memref.store %reduce_sum3A_173, %arg3[%swap3A] : memref<4xf32, #tpu.memory_space<smem>>
    return
  }
  func.func @transform_0(%arg0: i32) -> (i32, i32, i32) {
    %c0_i32 = arith.constant 0 : i32
    %c0_i32_0 = arith.constant 0 : i32
    %c0_i32_1 = arith.constant 0 : i32
    return %arg0, %c0_i32, %c0_i32_0 : i32, i32, i32
  }
  func.func @transform_1(%arg0: i32) -> (i32, i32, i32) {
    %c0_i32 = arith.constant 0 : i32
    %c0_i32_0 = arith.constant 0 : i32
    %c0_i32_1 = arith.constant 0 : i32
    return %arg0, %c0_i32, %c0_i32_0 : i32, i32, i32
  }
  func.func @transform_2(%arg0: i32) -> i32 {
    %c0_i32 = arith.constant 0 : i32
    %c0_i32_0 = arith.constant 0 : i32
    return %c0_i32 : i32
  }
}

</mosaic_0001>

<sc_bundles>
// kernel: kernel.4.cloned.1.call-start
scs
__scs_entry_jumppad:
0x0: {  	(pc) =	sbr.rel $0x88, $3  }
0x1: {  	(tag) =	ssettag $0x0;
	lr =	simm.s32 $0x1  }
0x2: {  	[smem:$0x3F9E] =	sst lr;
	_ =	strace $0xD0000000  }
0x3: {  	_ = 	snop  }
0x4: {  	_ = 	snop  }
0x5: {  	_ = 	snop  }
0x6: {  	_ = 	snop  }
0x7: {  	_ = 	snop  }
__scs_overlays_trampoline_lowered:
0x8: {  	[smem:$0x3FAD] =	sst s0  }
0x9: {  	[smem:$0x3FAE] =	sst s1  }
0xa: {  	[smem:$0x3FAF] =	sst s2  }
0xb: {  	[smem:$0x3FB0] =	sst s3  }
0xc: {  	[smem:$0x3FB1] =	sst s4  }
0xd: {  	[smem:$0x3FB2] =	sst s5  }
0xe: {  	[smem:$0x3FB3] =	sst s6  }
0xf: {  	[smem:$0x3FB4] =	sst s7  }
0x10: {  	[smem:$0x3FB5] =	sst s8  }
0x11: {  	[smem:$0x3FB6] =	sst s9;
	s0 =	simm.s32 @!p0 $0x0  }
0x12: {  	s1 =	sld [smem:$0x3F9C];
	s0 =	simm.s32 @p0 $0x1  }
0x13: {  	[smem:$0x3FB7] =	sst s0;
	s0 =	simm.s32 @!p1 $0x0  }
0x14: {  	s2 =	sld [smem:$0x3F9B];
	s0 =	simm.s32 @p1 $0x1  }
0x15: {  	[smem:$0x3FB8] =	sst s0;
	s0 =	simm.s32 @!p2 $0x0  }
0x16: {  	s3 =	sld [smem:$0x3FDB];
	s0 =	simm.s32 @p2 $0x1  }
0x17: {  	s4 =	simm.s32 $0x1BF5;
	[smem:$0x3FBA] =	sst s0  }
0x18: {  	s0 =	sld [smem:$0x3F9D];
	_ =	swait.ge [sflag:s4], $0x0  }
0x19: {  	s7 =	sld [smem:$0x3F9E]  }
0x1a: {  	s8 =	sadd.s32 $0xFFFFE003, lr  }
0x1b: {  	s9 =	sadd.s32 $0xFFFFFEF7, lr;
	s5 =	simm.s32 $0xFFFFFFFF;
	p2 =	slt.u32 s8, $0xFFFFF086  }
0x1c: {  	p1 =	slt.u32 s9, $0xF7A;
	s5 =	simm.s32 @!p2 $0x0  }
0x1d: {  	s5 =	simm.s32 @p1 $0x1;
	p0 =	seq.s32 s7, s2  }
0x1e: {  	s7 =	smul.u32 @!p0 $0xF7A, s2;
	p2 =	seq.s32 @!p0 s5, $0x0  }
0x1f: {  	s9 =	smul.u32 $0xF7A, s1;
	s8 =	simm.s32 @!p0 $0x1BF5;
	p2 =	por !p2, p0  }
0x20: {  	[sflag:s8] =	ssyncset.s32 @!p0 $0xFFFFF086;
	s6 =	sadd.s32 @!p0 s3, s7;
	s7 =	simm.s32 @!p0 $0x108  }
0x21: {  	s3 =	sadd.s32 s3, s9;
	s6 =	sadd.s32 @!p0 $0x88, s6;
	s7 =	simm.s32 @p2 $0x1082  }
0x22: {  	[simem:s7], [sflag:s8] =	dma.local @!p0 [hbm:s6], $0xF7A  }
0x23: {  	s9 =	sor.u32 $0xD0000000, s2;
	s6 =	simm.s32 $0x108;
	_ =	swait.ge @!p0 [sflag:s8], $0x0  }
0x24: {  	s3 =	sadd.s32 $0x88, s3;
	s6 =	simm.s32 @!p1 $0x1082;
	[sflag:s4] =	ssyncset.s32 $0xFFFFF086  }
0x25: {  	[simem:s6], [sflag:s4] =	dma.local [hbm:s3], $0xF7A  }
0x26: {  	[smem:$0x3F9E] =	sst s1;
	(tag) =	ssettag s2;
	_ =	strace s9  }
0x27: {  	s1 =	sld [smem:$0x3FAE]  }
0x28: {  	s2 =	sld [smem:$0x3FAF]  }
0x29: {  	s4 =	sld [smem:$0x3FB1]  }
0x2a: {  	p0 =	seq.s32 s5, $0x0;
	s5 =	sld [smem:$0x3FB2]  }
0x2b: {  	s6 =	sld [smem:$0x3FB3]  }
0x2c: {  	s7 =	sld [smem:$0x3FB4]  }
0x2d: {  	s3 =	simm.s32 $0x108;
	s8 =	sld [smem:$0x3FB5]  }
0x2e: {  	s3 =	simm.s32 @!p0 $0x1082;
	s9 =	sld [smem:$0x3FB6]  }
0x2f: {  	lr =	sadd.s32 s0, s3;
	s0 =	sld [smem:$0x3FAD]  }
0x30: {  	s3 =	sld [smem:$0x3FB0]  }
0x31: {  	[smem:$0x3FB9] =	sst s10  }
0x32: {  	s10 =	sld [smem:$0x3FB7];
	_ =	sdelay $0x3  }
0x33: {  	p0 =	seq.s32 s10, $0x1;
	s10 =	sld [smem:$0x3FB9];
	_ =	sdelay $0x3  }
0x34: {  	[smem:$0x3FB9] =	sst s10  }
0x35: {  	s10 =	sld [smem:$0x3FB8];
	_ =	sdelay $0x3  }
0x36: {  	p1 =	seq.s32 s10, $0x1;
	s10 =	sld [smem:$0x3FB9];
	_ =	sdelay $0x3  }
0x37: {  	[smem:$0x3FB9] =	sst s10  }
0x38: {  	s10 =	sld [smem:$0x3FBA]  }
0x39: {  	_ = 	snop;
	(pc) =	sbr.ind lr, $3  }
0x3a: {  	_ = 	snop  }
0x3b: {  	_ = 	snop  }
0x3c: {  	p2 =	seq.s32 s10, $0x1;
	s10 =	sld [smem:$0x3FB9]  }
0x3d: {  	_ =	shalt  }
0x3e: {  	_ =	shalt  }
0x3f: {  	_ =	shalt  }
0x40: {  	_ =	shalt  }
0x41: {  	_ =	shalt  }
0x42: {  	_ =	shalt  }
0x43: {  	_ =	shalt  }
0x44: {  	_ =	shalt  }
0x45: {  	_ =	shalt  }
0x46: {  	_ =	shalt  }
0x47: {  	_ =	shalt  }
0x48: {  	_ =	shalt  }
0x49: {  	_ =	shalt  }
0x4a: {  	_ =	shalt  }
0x4b: {  	_ =	shalt  }
0x4c: {  	_ =	shalt  }
0x4d: {  	_ =	shalt  }
0x4e: {  	_ =	shalt  }
0x4f: {  	_ =	shalt  }
0x50: {  	_ =	shalt  }
0x51: {  	_ =	shalt  }
0x52: {  	_ =	shalt  }
0x53: {  	_ =	shalt  }
0x54: {  	_ =	shalt  }
0x55: {  	_ =	shalt  }
0x56: {  	_ =	shalt  }
0x57: {  	_ =	shalt  }
0x58: {  	_ =	shalt  }
0x59: {  	_ =	shalt  }
0x5a: {  	_ =	shalt  }
0x5b: {  	_ =	shalt  }
0x5c: {  	_ =	shalt  }
0x5d: {  	_ =	shalt  }
0x5e: {  	_ =	shalt  }
0x5f: {  	_ =	shalt  }
0x60: {  	_ =	shalt  }
0x61: {  	_ =	shalt  }
0x62: {  	_ =	shalt  }
0x63: {  	_ =	shalt  }
0x64: {  	_ =	shalt  }
0x65: {  	_ =	shalt  }
0x66: {  	_ =	shalt  }
0x67: {  	_ =	shalt  }
0x68: {  	_ =	shalt  }
0x69: {  	_ =	shalt  }
0x6a: {  	_ =	shalt  }
0x6b: {  	_ =	shalt  }
0x6c: {  	_ =	shalt  }
0x6d: {  	_ =	shalt  }
0x6e: {  	_ =	shalt  }
0x6f: {  	_ =	shalt  }
0x70: {  	_ =	shalt  }
0x71: {  	_ =	shalt  }
0x72: {  	_ =	shalt  }
0x73: {  	_ =	shalt  }
0x74: {  	_ =	shalt  }
0x75: {  	_ =	shalt  }
0x76: {  	_ =	shalt  }
0x77: {  	_ =	shalt  }
0x78: {  	_ =	shalt  }
0x79: {  	_ =	shalt  }
0x7a: {  	_ =	shalt  }
0x7b: {  	_ =	shalt  }
0x7c: {  	_ =	shalt  }
0x7d: {  	_ =	shalt  }
0x7e: {  	_ =	shalt  }
0x7f: {  	_ =	shalt  }
0x80: {  	_ =	shalt  }
0x81: {  	_ =	shalt  }
0x82: {  	_ =	shalt  }
0x83: {  	_ =	shalt  }
0x84: {  	_ =	shalt  }
0x85: {  	_ =	shalt  }
0x86: {  	_ =	shalt  }
0x87: {  	_ =	shalt  }
.Lfunc_end0:
.L_simem_size_0:
called_computation_lowered:
.L_overlay_start_0:
0x88: {  	s0 =	sld [smem:$0x3FD9]  }
0x89: {  	s1 =	sld [smem:$0x3FFE];
	_ =	sdelay $0x3  }
0x8a: {  	s0 =	sadd.s32 s1, s0  }
0x8b: {  	[smem:$0x3FC5] =	sst s0  }
0x8c: {  	_ = 	snop  }
0x8d: {  	(tm) =	ssettm $0x1  }
0x8e: {  	s15 =	sld [smem:$0x3FFB];
	_ =	sdelay $0x3  }
0x8f: {  	_ =	strace s15  }
0x90: {  	s0 =	sld [smem:$0x3FFC];
	_ =	sdelay $0x3  }
0x91: {  	_ =	strace s0  }
0x92: {  	s0 =	sld [smem:$0x3FFD];
	_ =	sdelay $0x3  }
0x93: {  	_ =	strace s0  }
0x94: {  	_ =	strace $0x8FFFFFFF  }
0x95: {  	s16 =	sld [smem:$0x3FDB];
	_ =	sdelay $0x1  }
0x96: {  	s17 =	simm.s32 $_scs_section_size  }
0x97: {  	s2 =	simm.s32 $_size__tile_overlayer_lowered;
	s3 =	simm.s32 $_tile_overlayer_lowered  }
0x98: {  	s20 =	simm.s32 $0x1BFF;
	s19 =	sshll.u32 s3, $0x1;
	s0 =	sadd.s32 s17, s16  }
0x99: {  	s4 =	simm.s32 $0x0;
	s18 =	sshll.u32 s2, $0x1;
	s2 =	sadd.s32 s19, s0  }
0x9a: {  	[timem:s4], [sflag:s20] =	dma.local [hbm:s2], s18  }
0x9b: {  	_ =	swait.ge [sflag:s20], s18  }
0x9c: {  	s1 =	ssub.s32 $0x0, s18;
	[sflag:s20] =	ssyncset.done $0x0  }
0x9d: {  	[sflag:s20] =	ssyncadd.s32 s1;
	_ =	sdelay $0x1  }
0x9e: {  	s21 =	simm.s32 $0x1B8B  }
0x9f: {  	_ =	swait.ge [sflag:s21], $0x1  }
0xa0: {  	[sflag:s21] =	ssyncset.done $0x0  }
0xa1: {  	s23 =	simm.s32 $0x1B8E;
	s22 =	sld [smem:$0x3FFE];
	[sflag:s21] =	ssyncadd.s32 $0xFFFFFFFF  }
0xa2: {  	s24 =	simm.s32 $execute0_lowered;
	[smem:$0x3FD2] =	sst s23  }
0xa3: {  	s2 =	sshll.u32 s24, $0x1;
	_ =	strace $0x80000046;
	[dreg:$0x1] =	wrdreg $0xFFFFFFFF  }
0xa4: {  	s25 =	simm.s32 $_size_execute0_lowered;
	s0 =	sadd.s32 s0, s2;
	[dreg:$0x0] =	wrdreg $0x0  }
0xa5: {  	s2 =	sshll.u32 s25, $0x1;
	[dreg:$0x2] =	wrdreg s0  }
0xa6: {  	[dreg:$0x3] =	wrdreg s2  }
0xa7: {  	[dreg:$0x4] =	wrdreg $0xC0  }
0xa8: {  	_ =	task [dreg:s4], $0x5FFFF  }
0xa9: {  	[dreg:$0x1] =	wrdreg $0xFFFFFFFF  }
0xaa: {  	[dreg:$0x0] =	wrdreg $0x60  }
0xab: {  	[dreg:$0x2] =	wrdreg s22  }
0xac: {  	[dreg:$0x3] =	wrdreg $0x9  }
0xad: {  	_ =	task.clear_ibuf [dreg:s4], $0x4FFFF;
	_ =	strace $0x90000046  }
0xae: {  	s26 =	simm.s32 $0x9;
	_ =	strace $0x80000048  }
0xaf: {  	_ =	swait.ge [sflag:s26], $0x1  }
0xb0: {  	[sflag:s26] =	ssyncadd.s32 $0xFFFFFFFF  }
0xb1: {  	_ =	strace $0x90000048  }
0xb2: {  	_ =	sfence  }
0xb3: {  	s28 =	sld [smem:$0x0];
	_ =	sdelay $0x1  }
0xb4: {  	s29 =	srdreg.scid  }
0xb5: {  	s30 =	sshll.u32 s29, $0xD;
	s31 =	sshrl.u32 s29, $0x2  }
0xb6: {  	s1 =	sand.u32 $0x1, s29;
	s2 =	sand.u32 $0x4000, s30;
	s0 =	sadd.s32 s31, s28  }
0xb7: {  	s1 =	sor.u32 s2, s1;
	s0 =	sshll.u32 s0, $0x11  }
0xb8: {  	s0 =	sor.u32 s0, s1  }
0xb9: {  	s0 =	sadd.s32 $0x8F2B, s0  }
0xba: {  	[sflag:s0] =	ssyncadd.remote.s32 $0x1  }
0xbb: {  	_ =	sfence.sel $0xFFFF  }
0xbc: {  	[dreg:$0x0] =	wrdreg $0xFFFFFFFF;
	(pc) =	sbr.abs _section_cstart, $3  }
0xbd: {  	[dreg:$0x1] =	wrdreg $0xFFFFFFFF  }
0xbe: {  	_ =	task.clear_ibuf [dreg:s4], $0x2FFFF;
	_ =	strace $0x9FFFFFFF  }
0xbf: {  	(tm) =	ssettm $0x7FFFFFFF  }
tec
execute0_lowered:
.L_overlay_start_1:
0x0: {  	(tag) =	ssettag $0x1  }
0x1: {  	s2 =	rddreg [dreg:$0x0]  }
0x2: {  	s0 =	rddreg [dreg:$0x1]  }
0x3: {  	s6 =	simm.s32 $0x0;
	s1 =	stileid.u32;
	s7 =	simm.s32 $0x1  }
0x4: {  	[smem:$0x7FF] =	sst s6;
	s4 =	sadd.s32 $0x600, s2;
	s5 =	sshll.u32 s1, $0xC  }
0x5: {  	s29 =	sshll.u32 s1, $0xF;
	_ =	strace $0x80000047;
	s3 =	sadd.s32 s4, s5  }
0x6: {  	[tilespmem:s6], [sflag:$0x1] =	stream.linear.gather [hbm4b:s3+s6], $0x4000, $0x38;
	[tilespmem:$0x8080] =	vst v63  }
0x7: {  	s3 =	sshrl.u32 s29, $0x3;
	_ =	swait.ge [sflag:s7], $0x4000  }
0x8: {  	s30 =	simm.s32 $0x4000;
	s3 =	sadd.s32 s4, s3;
	[sflag:s7] =	ssyncset.done $0x0  }
0x9: {  	s31 =	simm.s32 $0x0;
	s8 =	sadd.s32 $0x8000, s3;
	[sflag:s7] =	ssyncadd.s32 $0xFFFFC000  }
0xa: {  	[tilespmem:s30], [sflag:$0x1] =	stream.linear.gather [hbm4b:s8+s6], $0x4000, $0x38;
	[tilespmem:$0x8080] =	vst v63  }
0xb: {  	v2 =	vld [tilespmem:s31+$0x0]  }
0xc: {  	v4 =	vld [tilespmem:s31+$0x10]  }
0xd: {  	v5 =	vld [tilespmem:s31+$0x20]  }
0xe: {  	v8 =	vld [tilespmem:s31+$0x30]  }
0xf: {  	v3 =	vld [tilespmem:s31+$0x40]  }
0x10: {  	v1 =	vld [tilespmem:s31+$0x50]  }
0x11: {  	v0 =	vimm.f32 $0.0e+00;
	vm0 =	vge.f32 v2, $8.000000110e-01;
	vm1 =	vge.f32 v4, $8.000000110e-01;
	v2 =	vld [tilespmem:s31+$0x60]  }
0x12: {  	s6 =	simm.s32 $0x80;
	v4 =	vld [tilespmem:s31+$0x70];
	v6 =	vsel vm0, $0x3F800000, v0;
	v7 =	vsel vm1, $0x3F800000, v0;
	vm0 =	vge.f32 v5, $8.000000110e-01  }
0x13: {  	s2 =	sadd.s32 $0x20600, s2;
	s7 =	simm.s32 $0x400;
	v5 =	vld [tilespmem:s6+$0x0];
	vm1 =	vge.f32 v8, $8.000000110e-01;
	v6 =	vadd.f32 v6, v0;
	v7 =	vadd.f32 v7, v0  }
.LBB2_1:
0x14: {  	p0 =	sne.s32 s7, $0xFE00;
	v8 =	vld [tilespmem:s6+$0x10];
	v9 =	vsel vm0, $0x3F800000, v0;
	v10 =	vsel vm1, $0x3F800000, v0;
	vm0 =	vge.f32 v3, $8.000000110e-01  }
0x15: {  	v11 =	vld [tilespmem:s6+$0x20];
	v6 =	vadd.f32 v9, v6;
	v7 =	vadd.f32 v10, v7;
	vm1 =	vge.f32 v1, $8.000000110e-01  }
0x16: {  	v1 =	vsel vm0, $0x3F800000, v0;
	v9 =	vld [tilespmem:s6+$0x30];
	v10 =	vsel vm1, $0x3F800000, v0;
	vm0 =	vge.f32 v2, $8.000000110e-01  }
.Ltmp0:
0x17: {  	v3 =	vld [tilespmem:s6+$0x40];
	v6 =	vadd.f32 v1, v6;
	v7 =	vadd.f32 v10, v7;
	vm1 =	vge.f32 v4, $8.000000110e-01;
	(pc) =	sbr.rel @p0 .LBB2_1-.Ltmp0, $4  }
0x18: {  	v4 =	vsel vm0, $0x3F800000, v0;
	vm2 =	vge.f32 v5, $8.000000110e-01;
	v1 =	vld [tilespmem:s6+$0x50];
	v5 =	vsel vm1, $0x3F800000, v0  }
0x19: {  	vm0 =	vge.f32 v8, $8.000000110e-01;
	v2 =	vld [tilespmem:s6+$0x60];
	v6 =	vadd.f32 v4, v6;
	v7 =	vadd.f32 v5, v7  }
0x1a: {  	v8 =	vsel vm2, $0x3F800000, v0;
	v10 =	vsel vm0, $0x3F800000, v0;
	vm0 =	vge.f32 v11, $8.000000110e-01;
	v4 =	vld [tilespmem:s6+$0x70];
	s6 =	sshra.s32 s7, $0x2  }
0x1b: {  	s7 =	sadd.s32 $0x200, s7;
	v5 =	vld [tilespmem:s6+$0x0];
	v6 =	vadd.f32 v8, v6;
	v7 =	vadd.f32 v10, v7;
	vm1 =	vge.f32 v9, $8.000000110e-01  }
0x1c: {  	v8 =	vld [tilespmem:s6+$0x10];
	v9 =	vsel vm0, $0x3F800000, v0;
	v10 =	vsel vm1, $0x3F800000, v0;
	vm0 =	vge.f32 v3, $8.000000110e-01  }
0x1d: {  	v3 =	vld [tilespmem:s6+$0x20];
	v6 =	vadd.f32 v9, v6;
	v7 =	vadd.f32 v10, v7;
	vm1 =	vge.f32 v1, $8.000000110e-01  }
0x1e: {  	v1 =	vld [tilespmem:s6+$0x30];
	v60 =	vsel vm0, $0x3F800000, v0;
	v61 =	vsel vm1, $0x3F800000, v0;
	vm0 =	vge.f32 v2, $8.000000110e-01  }
0x1f: {  	v2 =	vld [tilespmem:s6+$0x40];
	v6 =	vadd.f32 v60, v6;
	v7 =	vadd.f32 v61, v7;
	vm1 =	vge.f32 v4, $8.000000110e-01  }
0x20: {  	v4 =	vld [tilespmem:s6+$0x50];
	vm2 =	vge.f32 v5, $8.000000110e-01;
	v5 =	vsel vm0, $0x3F800000, v0;
	v62 =	vsel vm1, $0x3F800000, v0  }
0x21: {  	vm0 =	vge.f32 v8, $8.000000110e-01;
	v8 =	vld [tilespmem:s6+$0x60];
	v5 =	vadd.f32 v5, v6;
	v6 =	vadd.f32 v62, v7  }
0x22: {  	v7 =	vsel vm2, $0x3F800000, v0;
	v63 =	vsel vm0, $0x3F800000, v0;
	vm0 =	vge.f32 v3, $8.000000110e-01;
	v3 =	vld [tilespmem:s6+$0x70]  }
0x23: {  	vm1 =	vge.f32 v1, $8.000000110e-01;
	v5 =	vadd.f32 v7, v5;
	v6 =	vadd.f32 v63, v6  }
0x24: {  	v1 =	vsel vm0, $0x3F800000, v0;
	v7 =	vsel vm1, $0x3F800000, v0;
	vm0 =	vge.f32 v2, $8.000000110e-01  }
0x25: {  	vm1 =	vge.f32 v4, $8.000000110e-01;
	v1 =	vadd.f32 v1, v5;
	v2 =	vadd.f32 v7, v6  }
0x26: {  	v4 =	vsel vm0, $0x3F800000, v0;
	v5 =	vsel vm1, $0x3F800000, v0;
	vm0 =	vge.f32 v8, $8.000000110e-01  }
0x27: {  	v1 =	vadd.f32 v4, v1;
	v2 =	vadd.f32 v5, v2;
	vm1 =	vge.f32 v3, $8.000000110e-01  }
0x28: {  	v3 =	vsel vm0, $0x3F800000, v0;
	v0 =	vsel vm1, $0x3F800000, v0  }
0x29: {  	v1 =	vadd.f32 v3, v1;
	v0 =	vadd.f32 v0, v2;
	_ =	sdelay $0x1  }
0x2a: {  	v0 =	vadd.f32 v0, v1;
	_ =	sdelay $0x1  }
0x2b: {  	s29 =	simm.s32 $0x1;
	[tilespmem:$0x8000] =	vst v0  }
0x2c: {  	_ =	swait.ge [sflag:s29], $0x4000  }
0x2d: {  	s4 =	sadd.s32 s5, s4;
	s30 =	simm.s32 $0x0;
	[sflag:s29] =	ssyncset.done $0x0  }
0x2e: {  	s31 =	simm.s32 $0x0;
	s4 =	sadd.s32 $0x10000, s4;
	[sflag:s29] =	ssyncadd.s32 $0xFFFFC000  }
0x2f: {  	[tilespmem:s30], [sflag:$0x1] =	stream.linear.gather [hbm4b:s4+s30], $0x4000, $0x38;
	[tilespmem:$0x8080] =	vst v63  }
0x30: {  	v2 =	vld [tilespmem:s31+$0x4000]  }
0x31: {  	v4 =	vld [tilespmem:s31+$0x4010]  }
0x32: {  	v5 =	vld [tilespmem:s31+$0x4020]  }
0x33: {  	v8 =	vld [tilespmem:s31+$0x4030]  }
0x34: {  	v3 =	vld [tilespmem:s31+$0x4040]  }
0x35: {  	v1 =	vld [tilespmem:s31+$0x4050]  }
0x36: {  	v0 =	vimm.f32 $0.0e+00;
	vm0 =	vge.f32 v2, $8.000000110e-01;
	vm1 =	vge.f32 v4, $8.000000110e-01;
	v2 =	vld [tilespmem:s31+$0x4060]  }
0x37: {  	s4 =	simm.s32 $0x80;
	v4 =	vld [tilespmem:s31+$0x4070];
	v6 =	vsel vm0, $0x3F800000, v0;
	v7 =	vsel vm1, $0x3F800000, v0;
	vm0 =	vge.f32 v5, $8.000000110e-01  }
0x38: {  	s5 =	simm.s32 $0x400;
	v5 =	vld [tilespmem:s4+$0x4000];
	vm1 =	vge.f32 v8, $8.000000110e-01;
	v6 =	vadd.f32 v6, v0;
	v7 =	vadd.f32 v7, v0  }
.LBB2_3:
0x39: {  	p0 =	sne.s32 s5, $0xFE00;
	v8 =	vld [tilespmem:s4+$0x4010];
	v9 =	vsel vm0, $0x3F800000, v0;
	v10 =	vsel vm1, $0x3F800000, v0;
	vm0 =	vge.f32 v3, $8.000000110e-01  }
0x3a: {  	v11 =	vld [tilespmem:s4+$0x4020];
	v6 =	vadd.f32 v9, v6;
	v7 =	vadd.f32 v10, v7;
	vm1 =	vge.f32 v1, $8.000000110e-01  }
0x3b: {  	v1 =	vsel vm0, $0x3F800000, v0;
	v9 =	vld [tilespmem:s4+$0x4030];
	v10 =	vsel vm1, $0x3F800000, v0;
	vm0 =	vge.f32 v2, $8.000000110e-01  }
.Ltmp1:
0x3c: {  	v3 =	vld [tilespmem:s4+$0x4040];
	v6 =	vadd.f32 v1, v6;
	v7 =	vadd.f32 v10, v7;
	vm1 =	vge.f32 v4, $8.000000110e-01;
	(pc) =	sbr.rel @p0 .LBB2_3-.Ltmp1, $4  }
0x3d: {  	v4 =	vsel vm0, $0x3F800000, v0;
	vm2 =	vge.f32 v5, $8.000000110e-01;
	v1 =	vld [tilespmem:s4+$0x4050];
	v5 =	vsel vm1, $0x3F800000, v0  }
0x3e: {  	vm0 =	vge.f32 v8, $8.000000110e-01;
	v2 =	vld [tilespmem:s4+$0x4060];
	v6 =	vadd.f32 v4, v6;
	v7 =	vadd.f32 v5, v7  }
0x3f: {  	v8 =	vsel vm2, $0x3F800000, v0;
	v10 =	vsel vm0, $0x3F800000, v0;
	vm0 =	vge.f32 v11, $8.000000110e-01;
	v4 =	vld [tilespmem:s4+$0x4070];
	s4 =	sshra.s32 s5, $0x2  }
0x40: {  	s5 =	sadd.s32 $0x200, s5;
	v5 =	vld [tilespmem:s4+$0x4000];
	v6 =	vadd.f32 v8, v6;
	v7 =	vadd.f32 v10, v7;
	vm1 =	vge.f32 v9, $8.000000110e-01  }
0x41: {  	v8 =	vld [tilespmem:s4+$0x4010];
	v9 =	vsel vm0, $0x3F800000, v0;
	v10 =	vsel vm1, $0x3F800000, v0;
	vm0 =	vge.f32 v3, $8.000000110e-01  }
0x42: {  	v3 =	vld [tilespmem:s4+$0x4020];
	v6 =	vadd.f32 v9, v6;
	v7 =	vadd.f32 v10, v7;
	vm1 =	vge.f32 v1, $8.000000110e-01  }
0x43: {  	v1 =	vld [tilespmem:s4+$0x4030];
	v60 =	vsel vm0, $0x3F800000, v0;
	v61 =	vsel vm1, $0x3F800000, v0;
	vm0 =	vge.f32 v2, $8.000000110e-01  }
0x44: {  	v2 =	vld [tilespmem:s4+$0x4040];
	v6 =	vadd.f32 v60, v6;
	v7 =	vadd.f32 v61, v7;
	vm1 =	vge.f32 v4, $8.000000110e-01  }
0x45: {  	v4 =	vld [tilespmem:s4+$0x4050];
	vm2 =	vge.f32 v5, $8.000000110e-01;
	v5 =	vsel vm0, $0x3F800000, v0;
	v62 =	vsel vm1, $0x3F800000, v0  }
0x46: {  	vm0 =	vge.f32 v8, $8.000000110e-01;
	v8 =	vld [tilespmem:s4+$0x4060];
	v5 =	vadd.f32 v5, v6;
	v6 =	vadd.f32 v62, v7  }
0x47: {  	v7 =	vsel vm2, $0x3F800000, v0;
	v63 =	vsel vm0, $0x3F800000, v0;
	vm0 =	vge.f32 v3, $8.000000110e-01;
	v3 =	vld [tilespmem:s4+$0x4070]  }
0x48: {  	vm1 =	vge.f32 v1, $8.000000110e-01;
	v5 =	vadd.f32 v7, v5;
	v6 =	vadd.f32 v63, v6  }
0x49: {  	v1 =	vsel vm0, $0x3F800000, v0;
	v7 =	vsel vm1, $0x3F800000, v0;
	vm0 =	vge.f32 v2, $8.000000110e-01  }
0x4a: {  	vm1 =	vge.f32 v4, $8.000000110e-01;
	v1 =	vadd.f32 v1, v5;
	v2 =	vadd.f32 v7, v6  }
0x4b: {  	v4 =	vsel vm0, $0x3F800000, v0;
	v5 =	vsel vm1, $0x3F800000, v0;
	vm0 =	vge.f32 v8, $8.000000110e-01  }
0x4c: {  	v1 =	vadd.f32 v4, v1;
	v2 =	vadd.f32 v5, v2;
	vm1 =	vge.f32 v3, $8.000000110e-01  }
0x4d: {  	v3 =	vsel vm0, $0x3F800000, v0;
	v0 =	vsel vm1, $0x3F800000, v0  }
0x4e: {  	v1 =	vadd.f32 v3, v1;
	v0 =	vadd.f32 v0, v2;
	_ =	sdelay $0x1  }
0x4f: {  	v0 =	vadd.f32 v0, v1;
	_ =	sdelay $0x1  }
0x50: {  	s29 =	simm.s32 $0x1;
	[tilespmem:$0x8010] =	vst v0  }
0x51: {  	_ =	swait.ge [sflag:s29], $0x4000  }
0x52: {  	s3 =	sadd.s32 $0x18000, s3;
	s30 =	simm.s32 $0x0;
	[sflag:s29] =	ssyncset.done $0x0  }
0x53: {  	s5 =	simm.s32 $0x4000;
	s31 =	simm.s32 $0x0;
	[sflag:s29] =	ssyncadd.s32 $0xFFFFC000  }
0x54: {  	[tilespmem:s5], [sflag:$0x1] =	stream.linear.gather [hbm4b:s3+s30], $0x4000, $0x38;
	[tilespmem:$0x8080] =	vst v63  }
0x55: {  	v2 =	vld [tilespmem:s31+$0x0]  }
0x56: {  	v4 =	vld [tilespmem:s31+$0x10]  }
0x57: {  	v5 =	vld [tilespmem:s31+$0x20]  }
0x58: {  	v8 =	vld [tilespmem:s31+$0x30]  }
0x59: {  	v3 =	vld [tilespmem:s31+$0x40]  }
0x5a: {  	v1 =	vld [tilespmem:s31+$0x50]  }
0x5b: {  	v0 =	vimm.f32 $0.0e+00;
	vm0 =	vge.f32 v2, $8.000000110e-01;
	vm1 =	vge.f32 v4, $8.000000110e-01;
	v2 =	vld [tilespmem:s31+$0x60]  }
0x5c: {  	s3 =	simm.s32 $0x80;
	v4 =	vld [tilespmem:s31+$0x70];
	v6 =	vsel vm0, $0x3F800000, v0;
	v7 =	vsel vm1, $0x3F800000, v0;
	vm0 =	vge.f32 v5, $8.000000110e-01  }
0x5d: {  	s4 =	simm.s32 $0x400;
	v5 =	vld [tilespmem:s3+$0x0];
	vm1 =	vge.f32 v8, $8.000000110e-01;
	v6 =	vadd.f32 v6, v0;
	v7 =	vadd.f32 v7, v0  }
.LBB2_5:
0x5e: {  	p0 =	sne.s32 s4, $0xFE00;
	v8 =	vld [tilespmem:s3+$0x10];
	v9 =	vsel vm0, $0x3F800000, v0;
	v10 =	vsel vm1, $0x3F800000, v0;
	vm0 =	vge.f32 v3, $8.000000110e-01  }
0x5f: {  	v11 =	vld [tilespmem:s3+$0x20];
	v6 =	vadd.f32 v9, v6;
	v7 =	vadd.f32 v10, v7;
	vm1 =	vge.f32 v1, $8.000000110e-01  }
0x60: {  	v1 =	vsel vm0, $0x3F800000, v0;
	v9 =	vld [tilespmem:s3+$0x30];
	v10 =	vsel vm1, $0x3F800000, v0;
	vm0 =	vge.f32 v2, $8.000000110e-01  }
.Ltmp2:
0x61: {  	v3 =	vld [tilespmem:s3+$0x40];
	v6 =	vadd.f32 v1, v6;
	v7 =	vadd.f32 v10, v7;
	vm1 =	vge.f32 v4, $8.000000110e-01;
	(pc) =	sbr.rel @p0 .LBB2_5-.Ltmp2, $4  }
0x62: {  	v4 =	vsel vm0, $0x3F800000, v0;
	vm2 =	vge.f32 v5, $8.000000110e-01;
	v1 =	vld [tilespmem:s3+$0x50];
	v5 =	vsel vm1, $0x3F800000, v0  }
0x63: {  	vm0 =	vge.f32 v8, $8.000000110e-01;
	v2 =	vld [tilespmem:s3+$0x60];
	v6 =	vadd.f32 v4, v6;
	v7 =	vadd.f32 v5, v7  }
0x64: {  	v8 =	vsel vm2, $0x3F800000, v0;
	v10 =	vsel vm0, $0x3F800000, v0;
	vm0 =	vge.f32 v11, $8.000000110e-01;
	v4 =	vld [tilespmem:s3+$0x70];
	s3 =	sshra.s32 s4, $0x2  }
0x65: {  	s4 =	sadd.s32 $0x200, s4;
	v5 =	vld [tilespmem:s3+$0x0];
	v6 =	vadd.f32 v8, v6;
	v7 =	vadd.f32 v10, v7;
	vm1 =	vge.f32 v9, $8.000000110e-01  }
0x66: {  	v8 =	vld [tilespmem:s3+$0x10];
	v9 =	vsel vm0, $0x3F800000, v0;
	v10 =	vsel vm1, $0x3F800000, v0;
	vm0 =	vge.f32 v3, $8.000000110e-01  }
0x67: {  	v3 =	vld [tilespmem:s3+$0x20];
	v6 =	vadd.f32 v9, v6;
	v7 =	vadd.f32 v10, v7;
	vm1 =	vge.f32 v1, $8.000000110e-01  }
0x68: {  	v1 =	vld [tilespmem:s3+$0x30];
	v60 =	vsel vm0, $0x3F800000, v0;
	v61 =	vsel vm1, $0x3F800000, v0;
	vm0 =	vge.f32 v2, $8.000000110e-01  }
0x69: {  	v2 =	vld [tilespmem:s3+$0x40];
	v6 =	vadd.f32 v60, v6;
	v7 =	vadd.f32 v61, v7;
	vm1 =	vge.f32 v4, $8.000000110e-01  }
0x6a: {  	v4 =	vld [tilespmem:s3+$0x50];
	vm2 =	vge.f32 v5, $8.000000110e-01;
	v5 =	vsel vm0, $0x3F800000, v0;
	v62 =	vsel vm1, $0x3F800000, v0  }
0x6b: {  	vm0 =	vge.f32 v8, $8.000000110e-01;
	v8 =	vld [tilespmem:s3+$0x60];
	v5 =	vadd.f32 v5, v6;
	v6 =	vadd.f32 v62, v7  }
0x6c: {  	v7 =	vsel vm2, $0x3F800000, v0;
	v63 =	vsel vm0, $0x3F800000, v0;
	vm0 =	vge.f32 v3, $8.000000110e-01;
	v3 =	vld [tilespmem:s3+$0x70]  }
0x6d: {  	vm1 =	vge.f32 v1, $8.000000110e-01;
	v5 =	vadd.f32 v7, v5;
	v6 =	vadd.f32 v63, v6  }
0x6e: {  	v1 =	vsel vm0, $0x3F800000, v0;
	v7 =	vsel vm1, $0x3F800000, v0;
	vm0 =	vge.f32 v2, $8.000000110e-01  }
0x6f: {  	vm1 =	vge.f32 v4, $8.000000110e-01;
	v1 =	vadd.f32 v1, v5;
	v2 =	vadd.f32 v7, v6  }
0x70: {  	v4 =	vsel vm0, $0x3F800000, v0;
	v5 =	vsel vm1, $0x3F800000, v0;
	vm0 =	vge.f32 v8, $8.000000110e-01  }
0x71: {  	v1 =	vadd.f32 v4, v1;
	v2 =	vadd.f32 v5, v2;
	vm1 =	vge.f32 v3, $8.000000110e-01  }
0x72: {  	v3 =	vsel vm0, $0x3F800000, v0;
	v0 =	vsel vm1, $0x3F800000, v0  }
0x73: {  	v1 =	vadd.f32 v3, v1;
	v0 =	vadd.f32 v0, v2;
	_ =	sdelay $0x1  }
0x74: {  	v0 =	vadd.f32 v0, v1;
	_ =	sdelay $0x1  }
0x75: {  	s31 =	simm.s32 $0x1;
	[tilespmem:$0x8020] =	vst v0  }
0x76: {  	_ =	swait.ge [sflag:s31], $0x4000  }
0x77: {  	[sflag:s31] =	ssyncset.done $0x0  }
0x78: {  	s4 =	simm.s32 $0x0;
	[sflag:s31] =	ssyncadd.s32 $0xFFFFC000  }
0x79: {  	v2 =	vld [tilespmem:s4+$0x4000]  }
0x7a: {  	v4 =	vld [tilespmem:s4+$0x4010]  }
0x7b: {  	v5 =	vld [tilespmem:s4+$0x4020]  }
0x7c: {  	v8 =	vld [tilespmem:s4+$0x4030]  }
0x7d: {  	v3 =	vld [tilespmem:s4+$0x4040]  }
0x7e: {  	v1 =	vld [tilespmem:s4+$0x4050]  }
0x7f: {  	v0 =	vimm.f32 $0.0e+00;
	vm0 =	vge.f32 v2, $8.000000110e-01;
	vm1 =	vge.f32 v4, $8.000000110e-01;
	v2 =	vld [tilespmem:s4+$0x4060]  }
0x80: {  	s3 =	simm.s32 $0x80;
	v4 =	vld [tilespmem:s4+$0x4070];
	v6 =	vsel vm0, $0x3F800000, v0;
	v7 =	vsel vm1, $0x3F800000, v0;
	vm0 =	vge.f32 v5, $8.000000110e-01  }
0x81: {  	s4 =	simm.s32 $0x400;
	v5 =	vld [tilespmem:s3+$0x4000];
	vm1 =	vge.f32 v8, $8.000000110e-01;
	v6 =	vadd.f32 v6, v0;
	v7 =	vadd.f32 v7, v0  }
.LBB2_7:
0x82: {  	p0 =	sne.s32 s4, $0xFE00;
	v8 =	vld [tilespmem:s3+$0x4010];
	v9 =	vsel vm0, $0x3F800000, v0;
	v10 =	vsel vm1, $0x3F800000, v0;
	vm0 =	vge.f32 v3, $8.000000110e-01  }
0x83: {  	v11 =	vld [tilespmem:s3+$0x4020];
	v6 =	vadd.f32 v9, v6;
	v7 =	vadd.f32 v10, v7;
	vm1 =	vge.f32 v1, $8.000000110e-01  }
0x84: {  	v1 =	vsel vm0, $0x3F800000, v0;
	v9 =	vld [tilespmem:s3+$0x4030];
	v10 =	vsel vm1, $0x3F800000, v0;
	vm0 =	vge.f32 v2, $8.000000110e-01  }
.Ltmp3:
0x85: {  	v3 =	vld [tilespmem:s3+$0x4040];
	v6 =	vadd.f32 v1, v6;
	v7 =	vadd.f32 v10, v7;
	vm1 =	vge.f32 v4, $8.000000110e-01;
	(pc) =	sbr.rel @p0 .LBB2_7-.Ltmp3, $4  }
0x86: {  	v4 =	vsel vm0, $0x3F800000, v0;
	vm2 =	vge.f32 v5, $8.000000110e-01;
	v1 =	vld [tilespmem:s3+$0x4050];
	v5 =	vsel vm1, $0x3F800000, v0  }
0x87: {  	vm0 =	vge.f32 v8, $8.000000110e-01;
	v2 =	vld [tilespmem:s3+$0x4060];
	v6 =	vadd.f32 v4, v6;
	v7 =	vadd.f32 v5, v7  }
0x88: {  	v8 =	vsel vm2, $0x3F800000, v0;
	v10 =	vsel vm0, $0x3F800000, v0;
	vm0 =	vge.f32 v11, $8.000000110e-01;
	v4 =	vld [tilespmem:s3+$0x4070];
	s3 =	sshra.s32 s4, $0x2  }
0x89: {  	s4 =	sadd.s32 $0x200, s4;
	v5 =	vld [tilespmem:s3+$0x4000];
	v6 =	vadd.f32 v8, v6;
	v7 =	vadd.f32 v10, v7;
	vm1 =	vge.f32 v9, $8.000000110e-01  }
0x8a: {  	v8 =	vld [tilespmem:s3+$0x4010];
	v9 =	vsel vm0, $0x3F800000, v0;
	v10 =	vsel vm1, $0x3F800000, v0;
	vm5 =	vge.f32 v3, $8.000000110e-01  }
0x8b: {  	v44 =	vld [tilespmem:s3+$0x4020];
	v6 =	vadd.f32 v9, v6;
	v7 =	vadd.f32 v10, v7;
	vm6 =	vge.f32 v1, $8.000000110e-01  }
0x8c: {  	v45 =	vld [tilespmem:s3+$0x4030];
	v46 =	vsel vm5, $0x3F800000, v0;
	v47 =	vsel vm6, $0x3F800000, v0;
	vm7 =	vge.f32 v2, $8.000000110e-01  }
0x8d: {  	v48 =	vld [tilespmem:s3+$0x4040];
	v6 =	vadd.f32 v46, v6;
	v7 =	vadd.f32 v47, v7;
	vm8 =	vge.f32 v4, $8.000000110e-01  }
0x8e: {  	v49 =	vld [tilespmem:s3+$0x4050];
	v50 =	vsel vm7, $0x3F800000, v0;
	vm2 =	vge.f32 v5, $8.000000110e-01;
	v51 =	vsel vm8, $0x3F800000, v0  }
0x8f: {  	v52 =	vld [tilespmem:s3+$0x4060];
	vm9 =	vge.f32 v8, $8.000000110e-01;
	v5 =	vadd.f32 v50, v6;
	v53 =	vadd.f32 v51, v7  }
0x90: {  	v56 =	vld [tilespmem:s3+$0x4070];
	v54 =	vsel vm2, $0x3F800000, v0;
	vm10 =	vge.f32 v44, $8.000000110e-01;
	v55 =	vsel vm9, $0x3F800000, v0  }
0x91: {  	vm11 =	vge.f32 v45, $8.000000110e-01;
	v5 =	vadd.f32 v54, v5;
	v6 =	vadd.f32 v55, v53  }
0x92: {  	vm12 =	vge.f32 v48, $8.000000110e-01;
	v57 =	vsel vm10, $0x3F800000, v0;
	v58 =	vsel vm11, $0x3F800000, v0  }
0x93: {  	vm13 =	vge.f32 v49, $8.000000110e-01;
	v1 =	vadd.f32 v57, v5;
	v59 =	vadd.f32 v58, v6  }
0x94: {  	vm14 =	vge.f32 v52, $8.000000110e-01;
	v60 =	vsel vm12, $0x3F800000, v0;
	v61 =	vsel vm13, $0x3F800000, v0  }
0x95: {  	vm15 =	vge.f32 v56, $8.000000110e-01;
	v1 =	vadd.f32 v60, v1;
	v2 =	vadd.f32 v61, v59  }
0x96: {  	v62 =	vsel vm14, $0x3F800000, v0;
	v63 =	vsel vm15, $0x3F800000, v0  }
0x97: {  	v1 =	vadd.f32 v62, v1;
	v0 =	vadd.f32 v63, v2;
	_ =	sdelay $0x1  }
0x98: {  	v0 =	vadd.f32 v0, v1  }
0x99: {  	s29 =	sshll.u32 s1, $0x4;
	s30 =	simm.s32 $0x0  }
0x9a: {  	s4 =	simm.s32 $0x8000;
	s31 =	simm.s32 $0x2;
	s2 =	sadd.s32 s2, s29;
	[tilespmem:$0x8030] =	vst v0  }
0x9b: {  	[hbm4b:s2+s30] =	stream.linear.scatter [tilespmem:s4], [sflag:$0x2], $0x40, $0x38;
	[tilespmem:$0x8080] =	vst v63  }
0x9c: {  	_ =	swait.ge [sflag:s31], $0x40  }
0x9d: {  	[sflag:s31] =	ssyncset.done $0x0  }
0x9e: {  	[sflag:s31] =	ssyncadd.s32 $0xFFFFFFC0  }
0x9f: {  	_ =	sfence.sel $0x180000  }
0xa0: {  	[bflag:$0x0] =	sbarrier.arrive $0xFFFF  }
0xa1: {  	p0 =	sne.s32 s1, $0x0;
	_ =	strace $0x90000047  }
0xa2: {  	s0 =	sadd.s32 @!p0 $0x100000, s0;
	[bflag:$0x2] =	sbarrier.arrive $0xFFFF  }
0xa3: {  	[sflag:s0] =	ssyncadd.tile.s32 @!p0 $0x1;
	_ =	shalt  }
.Lfunc_end2:
_tile_overlayer_lowered:
.L_overlay_start_2:
0xa4: {  	(tag) =	ssettag $0x2  }
0xa5: {  	s0 =	rddreg [dreg:$0x0];
	s2 =	stileid.u32  }
0xa6: {  	s1 =	rddreg [dreg:$0x1];
	p0 =	sne.s32 s2, $0x0  }
0xa7: {  	s3 =	rddreg [dreg:$0x2];
	[bflag:$0x3] =	sbarrier.arrive $0xFFFF;
	s2 =	simm.s32 @!p0 $0x1C02  }
0xa8: {  	[timem:s3], [sflag:s2] =	dma.local @!p0 [hbm:s0], s1  }
0xa9: {  	s0 =	simm.s32 @!p0 $0x2  }
0xaa: {  	_ =	swait.ge @!p0 [sflag:s0], s1  }
0xab: {  	s1 =	ssub.s32 @!p0 $0x0, s1;
	[sflag:s0] =	ssyncset.done @!p0 $0x0  }
0xac: {  	[sflag:s0] =	ssyncadd.s32 @!p0 s1  }
0xad: {  	[bflag:$0x3] =	sbarrier.arrive $0xFFFF  }
0xae: {  	_ =	shalt  }

</sc_bundles>
